<compile_context>
chip_gen: v7x
topology: tpu7x:2x2x1
jax: 0.10.2.dev20260603
libtpu: 0.0.44.dev20260713+nightly
codegen_flags: <defaults>
</compile_context>

<pallas_src>
import functools

import jax
import jax.numpy as jnp
from jax import lax
from jax.experimental import pallas as pl
from jax.experimental.pallas import tpu as pltpu
from jax.experimental.pallas import tpu_sc as plsc

VOCAB = 100000
EMBED = 64
BATCH = 4096
HIST = 50
B = BATCH * HIST
NC = 2
NS = 16
NW = NC * NS
B_PER_W = B // NW
CHUNK = 128
NCHUNK = B_PER_W // CHUNK
NBUF = 10
DEPTH = 6


def _make_gather():
    mesh = plsc.VectorSubcoreMesh(core_axis_name="c", subcore_axis_name="s")

    @functools.partial(
        pl.kernel,
        mesh=mesh,
        out_type=jax.ShapeDtypeStruct((B, EMBED), jnp.float32),
        scratch_types=[
            pltpu.VMEM((B_PER_W,), jnp.int32),
            pltpu.VMEM((NBUF, CHUNK, EMBED), jnp.float32),
        ] + [pltpu.SemaphoreType.DMA] * (2 * NBUF),
        compiler_params=pltpu.CompilerParams(use_tc_tiling_on_sc=False),
    )
    def gather_kernel(idx_hbm, table_hbm, out_hbm, idx_v, rows_v, *sems):
        gsems = sems[:NBUF]
        ssems = sems[NBUF:]
        wid = lax.axis_index("s") * NC + lax.axis_index("c")
        base = wid * B_PER_W
        pltpu.sync_copy(idx_hbm.at[pl.ds(base, B_PER_W)], idx_v)

        def g_copy(c, b):
            return pltpu.make_async_copy(
                table_hbm.at[idx_v.at[pl.ds(c * CHUNK, CHUNK)]],
                rows_v.at[b], gsems[b])

        def s_copy(c, b):
            return pltpu.make_async_copy(
                rows_v.at[b],
                out_hbm.at[pl.ds(base + c * CHUNK, CHUNK)], ssems[b])

        for c in range(DEPTH):
            g_copy(c, c % NBUF).start()

        def body(o, carry):
            c0 = o * NBUF
            for j in range(NBUF):
                c = c0 + j
                g_copy(c, j).wait()
                s_copy(c, j).start()
                cn = c + DEPTH
                b2 = (j + DEPTH) % NBUF

                @pl.when(cn < NCHUNK)
                def _():
                    @pl.when(cn >= NBUF)
                    def _():
                        s_copy(cn - NBUF, b2).wait()

                    g_copy(cn, b2).start()
            return carry

        lax.fori_loop(0, NCHUNK // NBUF, body, 0)

        for j in range(NBUF):
            s_copy(NCHUNK - NBUF + j, j).wait()

    return gather_kernel


_gather = _make_gather()


def kernel(indices, table):
    idx_flat = indices.reshape(B).astype(jnp.int32)
    out = _gather(idx_flat, table)
    return out.reshape(BATCH, HIST, EMBED)

# --- scband reference (transcript-rebuilt; emitter-appended) ---
"""Pipeline reference for scband-base-model-16174846836958 (READ-ONLY COPY).

The authoritative reference and input builder live on the scoring server;
editing this copy changes nothing except your own understanding.
"""

import jax, jax.numpy as jnp
import numpy as np

VOCAB = 100000
EMBED_DIM = 64
BATCH = 4096
HIST = 50


def setup_inputs(seed: int = 0) -> dict:
    key = jax.random.key(seed)
    k_idx, k_tab = jax.random.split(key)
    indices = jax.random.randint(k_idx, (BATCH, HIST), 0, VOCAB, dtype=jnp.int64)
    # Pretrained embedding table (frozen weights loaded via from_pretrained)
    table = jax.random.normal(k_tab, (VOCAB, EMBED_DIM), dtype=jnp.float32)
    return {"indices": indices, "table": table}


def reference(indices, table):
    # torch.nn.Embedding.from_pretrained(weight)(indices) -> weight[indices]
    out = jnp.take(table, indices, axis=0)
    return out

if __name__ == "__main__":
    import jax
    _d = setup_inputs()
    print(jax.jit(kernel)(*tuple(_d.values())))

</pallas_src>

<mosaic_0001>
#map = affine_map<(d0, d1) -> (0)>
#map1 = affine_map<(d0, d1) -> (0, 0)>
module attributes {stable_mosaic.version = 14 : i64} {
  func.func @gather_kernel(%arg0: i32, %arg1: i32, %arg2: memref<204800xi32, #tpu.memory_space<hbm>>, %arg3: memref<100000x64xf32, #tpu.memory_space<hbm>>, %arg4: memref<204800x64xf32, #tpu.memory_space<hbm>>, %arg5: memref<6400xi32, #tpu.memory_space<vmem>>, %arg6: memref<10x128x64xf32, #tpu.memory_space<vmem>>, %arg7: memref<!tpu.dma_semaphore, #tpu.memory_space<semaphore_mem>>, %arg8: memref<!tpu.dma_semaphore, #tpu.memory_space<semaphore_mem>>, %arg9: memref<!tpu.dma_semaphore, #tpu.memory_space<semaphore_mem>>, %arg10: memref<!tpu.dma_semaphore, #tpu.memory_space<semaphore_mem>>, %arg11: memref<!tpu.dma_semaphore, #tpu.memory_space<semaphore_mem>>, %arg12: memref<!tpu.dma_semaphore, #tpu.memory_space<semaphore_mem>>, %arg13: memref<!tpu.dma_semaphore, #tpu.memory_space<semaphore_mem>>, %arg14: memref<!tpu.dma_semaphore, #tpu.memory_space<semaphore_mem>>, %arg15: memref<!tpu.dma_semaphore, #tpu.memory_space<semaphore_mem>>, %arg16: memref<!tpu.dma_semaphore, #tpu.memory_space<semaphore_mem>>, %arg17: memref<!tpu.dma_semaphore, #tpu.memory_space<semaphore_mem>>, %arg18: memref<!tpu.dma_semaphore, #tpu.memory_space<semaphore_mem>>, %arg19: memref<!tpu.dma_semaphore, #tpu.memory_space<semaphore_mem>>, %arg20: memref<!tpu.dma_semaphore, #tpu.memory_space<semaphore_mem>>, %arg21: memref<!tpu.dma_semaphore, #tpu.memory_space<semaphore_mem>>, %arg22: memref<!tpu.dma_semaphore, #tpu.memory_space<semaphore_mem>>, %arg23: memref<!tpu.dma_semaphore, #tpu.memory_space<semaphore_mem>>, %arg24: memref<!tpu.dma_semaphore, #tpu.memory_space<semaphore_mem>>, %arg25: memref<!tpu.dma_semaphore, #tpu.memory_space<semaphore_mem>>, %arg26: memref<!tpu.dma_semaphore, #tpu.memory_space<semaphore_mem>>) attributes {dimension_semantics = [#tpu.dimension_semantics<core_parallel>, #tpu.dimension_semantics<subcore_parallel>], iteration_bounds = array<i64: 2, 16>, scalar_prefetch = 0 : i64, scratch_operands = 22 : i64, tpu.core_type = #tpu.core_type<sc_vector_subcore>, window_params = [{transform_indices = #map}, {transform_indices = #map1}, {transform_indices = #map1}]} {
    %mul3A = arith.constant 2 : i32
    %mul3A_0 = arith.muli %arg1, %mul3A : i32
    %add3A = arith.addi %mul3A_0, %arg0 : i32
    %mul3A_1 = arith.constant 6400 : i32
    %mul3A_2 = arith.muli %add3A, %mul3A_1 : i32
    "tpu.region"() ({
      %run_scoped3A = tpu.sem_alloc : memref<!tpu.dma_semaphore, #tpu.memory_space<semaphore_mem>>
      %dma_start3A_216 = tpu.memref_slice %arg2[%mul3A_2] : memref<204800xi32, #tpu.memory_space<hbm>> -> memref<6400xi32, #tpu.memory_space<hbm>>
      %dma_start3A_217 = tpu.memref_slice %arg2[%mul3A_2] : memref<204800xi32, #tpu.memory_space<hbm>> -> memref<6400xi32, #tpu.memory_space<hbm>>
      tpu.enqueue_dma source(%dma_start3A_217 : memref<6400xi32, #tpu.memory_space<hbm>>) target(%arg5 : memref<6400xi32, #tpu.memory_space<vmem>>) target_semaphore(%run_scoped3A : memref<!tpu.dma_semaphore, #tpu.memory_space<semaphore_mem>>)
      %dma_wait3A_218 = tpu.memref_slice %arg2[%mul3A_2] : memref<204800xi32, #tpu.memory_space<hbm>> -> memref<6400xi32, #tpu.memory_space<hbm>>
      %dma_wait3A_219 = tpu.memref_slice %arg2[%mul3A_2] : memref<204800xi32, #tpu.memory_space<hbm>> -> memref<6400xi32, #tpu.memory_space<hbm>>
      tpu.wait_dma2 semaphore(%run_scoped3A : memref<!tpu.dma_semaphore, #tpu.memory_space<semaphore_mem>>) src(%dma_wait3A_219 : memref<6400xi32, #tpu.memory_space<hbm>>) dst(%arg5 : memref<6400xi32, #tpu.memory_space<vmem>>)
      tpu.yield
    }) : () -> ()
    %dma_start3A = arith.constant 0 : i32
    %dma_start3A_3 = arith.constant 0 : i32
    %dma_start3A_4 = arith.constant 0 : i32
    %dma_start3A_5 = tpu.memref_slice %arg6[%dma_start3A, %dma_start3A_3, %dma_start3A_4] : memref<10x128x64xf32, #tpu.memory_space<vmem>> -> memref<1x128x64xf32, #tpu.memory_space<vmem>>
    %dma_start3A_6 = tpu.memref_squeeze %dma_start3A_5 : memref<1x128x64xf32, #tpu.memory_space<vmem>> -> memref<128x64xf32, #tpu.memory_space<vmem>>
    %dma_start3A_7 = arith.constant 0 : i32
    %dma_start3A_8 = tpu.memref_slice %arg5[%dma_start3A_7] : memref<6400xi32, #tpu.memory_space<vmem>> -> memref<128xi32, #tpu.memory_space<vmem>>
    %dma_start3A_9 = arith.constant 0 : i32
    %dma_start3A_10 = arith.constant 0 : i32
    %dma_start3A_11 = tpu.memref_slice %arg3[%dma_start3A_9, %dma_start3A_10] : memref<100000x64xf32, #tpu.memory_space<hbm>> -> memref<100000x64xf32, #tpu.memory_space<hbm>>
    tpu.enqueue_indirect_dma source(%dma_start3A_11 : memref<100000x64xf32, #tpu.memory_space<hbm>>) target(%dma_start3A_6 : memref<128x64xf32, #tpu.memory_space<vmem>>) offsets(%dma_start3A_8 : memref<128xi32, #tpu.memory_space<vmem>>) semaphore(%arg7 : memref<!tpu.dma_semaphore, #tpu.memory_space<semaphore_mem>>)
    %dma_start3A_12 = arith.constant 1 : i32
    %dma_start3A_13 = arith.constant 0 : i32
    %dma_start3A_14 = arith.constant 0 : i32
    %dma_start3A_15 = tpu.memref_slice %arg6[%dma_start3A_12, %dma_start3A_13, %dma_start3A_14] : memref<10x128x64xf32, #tpu.memory_space<vmem>> -> memref<1x128x64xf32, #tpu.memory_space<vmem>>
    %dma_start3A_16 = tpu.memref_squeeze %dma_start3A_15 : memref<1x128x64xf32, #tpu.memory_space<vmem>> -> memref<128x64xf32, #tpu.memory_space<vmem>>
    %dma_start3A_17 = arith.constant 128 : i32
    %dma_start3A_18 = tpu.memref_slice %arg5[%dma_start3A_17] : memref<6400xi32, #tpu.memory_space<vmem>> -> memref<128xi32, #tpu.memory_space<vmem>>
    %dma_start3A_19 = arith.constant 0 : i32
    %dma_start3A_20 = arith.constant 0 : i32
    %dma_start3A_21 = tpu.memref_slice %arg3[%dma_start3A_19, %dma_start3A_20] : memref<100000x64xf32, #tpu.memory_space<hbm>> -> memref<100000x64xf32, #tpu.memory_space<hbm>>
    tpu.enqueue_indirect_dma source(%dma_start3A_21 : memref<100000x64xf32, #tpu.memory_space<hbm>>) target(%dma_start3A_16 : memref<128x64xf32, #tpu.memory_space<vmem>>) offsets(%dma_start3A_18 : memref<128xi32, #tpu.memory_space<vmem>>) semaphore(%arg8 : memref<!tpu.dma_semaphore, #tpu.memory_space<semaphore_mem>>)
    %dma_start3A_22 = arith.constant 2 : i32
    %dma_start3A_23 = arith.constant 0 : i32
    %dma_start3A_24 = arith.constant 0 : i32
    %dma_start3A_25 = tpu.memref_slice %arg6[%dma_start3A_22, %dma_start3A_23, %dma_start3A_24] : memref<10x128x64xf32, #tpu.memory_space<vmem>> -> memref<1x128x64xf32, #tpu.memory_space<vmem>>
    %dma_start3A_26 = tpu.memref_squeeze %dma_start3A_25 : memref<1x128x64xf32, #tpu.memory_space<vmem>> -> memref<128x64xf32, #tpu.memory_space<vmem>>
    %dma_start3A_27 = arith.constant 256 : i32
    %dma_start3A_28 = tpu.memref_slice %arg5[%dma_start3A_27] : memref<6400xi32, #tpu.memory_space<vmem>> -> memref<128xi32, #tpu.memory_space<vmem>>
    %dma_start3A_29 = arith.constant 0 : i32
    %dma_start3A_30 = arith.constant 0 : i32
    %dma_start3A_31 = tpu.memref_slice %arg3[%dma_start3A_29, %dma_start3A_30] : memref<100000x64xf32, #tpu.memory_space<hbm>> -> memref<100000x64xf32, #tpu.memory_space<hbm>>
    tpu.enqueue_indirect_dma source(%dma_start3A_31 : memref<100000x64xf32, #tpu.memory_space<hbm>>) target(%dma_start3A_26 : memref<128x64xf32, #tpu.memory_space<vmem>>) offsets(%dma_start3A_28 : memref<128xi32, #tpu.memory_space<vmem>>) semaphore(%arg9 : memref<!tpu.dma_semaphore, #tpu.memory_space<semaphore_mem>>)
    %dma_start3A_32 = arith.constant 3 : i32
    %dma_start3A_33 = arith.constant 0 : i32
    %dma_start3A_34 = arith.constant 0 : i32
    %dma_start3A_35 = tpu.memref_slice %arg6[%dma_start3A_32, %dma_start3A_33, %dma_start3A_34] : memref<10x128x64xf32, #tpu.memory_space<vmem>> -> memref<1x128x64xf32, #tpu.memory_space<vmem>>
    %dma_start3A_36 = tpu.memref_squeeze %dma_start3A_35 : memref<1x128x64xf32, #tpu.memory_space<vmem>> -> memref<128x64xf32, #tpu.memory_space<vmem>>
    %dma_start3A_37 = arith.constant 384 : i32
    %dma_start3A_38 = tpu.memref_slice %arg5[%dma_start3A_37] : memref<6400xi32, #tpu.memory_space<vmem>> -> memref<128xi32, #tpu.memory_space<vmem>>
    %dma_start3A_39 = arith.constant 0 : i32
    %dma_start3A_40 = arith.constant 0 : i32
    %dma_start3A_41 = tpu.memref_slice %arg3[%dma_start3A_39, %dma_start3A_40] : memref<100000x64xf32, #tpu.memory_space<hbm>> -> memref<100000x64xf32, #tpu.memory_space<hbm>>
    tpu.enqueue_indirect_dma source(%dma_start3A_41 : memref<100000x64xf32, #tpu.memory_space<hbm>>) target(%dma_start3A_36 : memref<128x64xf32, #tpu.memory_space<vmem>>) offsets(%dma_start3A_38 : memref<128xi32, #tpu.memory_space<vmem>>) semaphore(%arg10 : memref<!tpu.dma_semaphore, #tpu.memory_space<semaphore_mem>>)
    %dma_start3A_42 = arith.constant 4 : i32
    %dma_start3A_43 = arith.constant 0 : i32
    %dma_start3A_44 = arith.constant 0 : i32
    %dma_start3A_45 = tpu.memref_slice %arg6[%dma_start3A_42, %dma_start3A_43, %dma_start3A_44] : memref<10x128x64xf32, #tpu.memory_space<vmem>> -> memref<1x128x64xf32, #tpu.memory_space<vmem>>
    %dma_start3A_46 = tpu.memref_squeeze %dma_start3A_45 : memref<1x128x64xf32, #tpu.memory_space<vmem>> -> memref<128x64xf32, #tpu.memory_space<vmem>>
    %dma_start3A_47 = arith.constant 512 : i32
    %dma_start3A_48 = tpu.memref_slice %arg5[%dma_start3A_47] : memref<6400xi32, #tpu.memory_space<vmem>> -> memref<128xi32, #tpu.memory_space<vmem>>
    %dma_start3A_49 = arith.constant 0 : i32
    %dma_start3A_50 = arith.constant 0 : i32
    %dma_start3A_51 = tpu.memref_slice %arg3[%dma_start3A_49, %dma_start3A_50] : memref<100000x64xf32, #tpu.memory_space<hbm>> -> memref<100000x64xf32, #tpu.memory_space<hbm>>
    tpu.enqueue_indirect_dma source(%dma_start3A_51 : memref<100000x64xf32, #tpu.memory_space<hbm>>) target(%dma_start3A_46 : memref<128x64xf32, #tpu.memory_space<vmem>>) offsets(%dma_start3A_48 : memref<128xi32, #tpu.memory_space<vmem>>) semaphore(%arg11 : memref<!tpu.dma_semaphore, #tpu.memory_space<semaphore_mem>>)
    %dma_start3A_52 = arith.constant 5 : i32
    %dma_start3A_53 = arith.constant 0 : i32
    %dma_start3A_54 = arith.constant 0 : i32
    %dma_start3A_55 = tpu.memref_slice %arg6[%dma_start3A_52, %dma_start3A_53, %dma_start3A_54] : memref<10x128x64xf32, #tpu.memory_space<vmem>> -> memref<1x128x64xf32, #tpu.memory_space<vmem>>
    %dma_start3A_56 = tpu.memref_squeeze %dma_start3A_55 : memref<1x128x64xf32, #tpu.memory_space<vmem>> -> memref<128x64xf32, #tpu.memory_space<vmem>>
    %dma_start3A_57 = arith.constant 640 : i32
    %dma_start3A_58 = tpu.memref_slice %arg5[%dma_start3A_57] : memref<6400xi32, #tpu.memory_space<vmem>> -> memref<128xi32, #tpu.memory_space<vmem>>
    %dma_start3A_59 = arith.constant 0 : i32
    %dma_start3A_60 = arith.constant 0 : i32
    %dma_start3A_61 = tpu.memref_slice %arg3[%dma_start3A_59, %dma_start3A_60] : memref<100000x64xf32, #tpu.memory_space<hbm>> -> memref<100000x64xf32, #tpu.memory_space<hbm>>
    tpu.enqueue_indirect_dma source(%dma_start3A_61 : memref<100000x64xf32, #tpu.memory_space<hbm>>) target(%dma_start3A_56 : memref<128x64xf32, #tpu.memory_space<vmem>>) offsets(%dma_start3A_58 : memref<128xi32, #tpu.memory_space<vmem>>) semaphore(%arg12 : memref<!tpu.dma_semaphore, #tpu.memory_space<semaphore_mem>>)
    %scan3A = arith.constant 0 : i32
    %scan3A_62 = arith.constant 0 : i32
    %scan3A_63 = arith.constant 5 : i32
    %scan3A_64 = arith.addi %scan3A_62, %scan3A_63 : i32
    %scan3A_65 = arith.constant 1 : i32
    scf.for %scan3A_216 = %scan3A_62 to %scan3A_64 step %scan3A_65  : i32 {
      %mul3A_217 = arith.constant 10 : i32
      %mul3A_218 = arith.muli %scan3A_216, %mul3A_217 : i32
      %add3A_219 = arith.constant 0 : i32
      %add3A_220 = arith.addi %mul3A_218, %add3A_219 : i32
      %mul3A_221 = arith.constant 128 : i32
      %mul3A_222 = arith.muli %add3A_220, %mul3A_221 : i32
      %dma_wait3A_223 = arith.constant 0 : i32
      %dma_wait3A_224 = arith.constant 0 : i32
      %dma_wait3A_225 = arith.constant 0 : i32
      %dma_wait3A_226 = tpu.memref_slice %arg6[%dma_wait3A_223, %dma_wait3A_224, %dma_wait3A_225] : memref<10x128x64xf32, #tpu.memory_space<vmem>> -> memref<1x128x64xf32, #tpu.memory_space<vmem>>
      %dma_wait3A_227 = tpu.memref_squeeze %dma_wait3A_226 : memref<1x128x64xf32, #tpu.memory_space<vmem>> -> memref<128x64xf32, #tpu.memory_space<vmem>>
      %dma_wait3A_228 = tpu.memref_slice %arg5[%mul3A_222] : memref<6400xi32, #tpu.memory_space<vmem>> -> memref<128xi32, #tpu.memory_space<vmem>>
      %dma_wait3A_229 = arith.constant 0 : i32
      %dma_wait3A_230 = arith.constant 0 : i32
      %dma_wait3A_231 = tpu.memref_slice %arg3[%dma_wait3A_229, %dma_wait3A_230] : memref<100000x64xf32, #tpu.memory_space<hbm>> -> memref<100000x64xf32, #tpu.memory_space<hbm>>
      tpu.wait_indirect_dma semaphore(%arg7 : memref<!tpu.dma_semaphore, #tpu.memory_space<semaphore_mem>>) src(%dma_wait3A_231 : memref<100000x64xf32, #tpu.memory_space<hbm>>) dst(%dma_wait3A_227 : memref<128x64xf32, #tpu.memory_space<vmem>>)
      %mul3A_232 = arith.constant 128 : i32
      %mul3A_233 = arith.muli %add3A_220, %mul3A_232 : i32
      %add3A_234 = arith.addi %mul3A_2, %mul3A_233 : i32
      %dma_start3A_235 = arith.constant 0 : i32
      %dma_start3A_236 = arith.constant 0 : i32
      %dma_start3A_237 = arith.constant 0 : i32
      %dma_start3A_238 = tpu.memref_slice %arg6[%dma_start3A_235, %dma_start3A_236, %dma_start3A_237] : memref<10x128x64xf32, #tpu.memory_space<vmem>> -> memref<1x128x64xf32, #tpu.memory_space<vmem>>
      %dma_start3A_239 = tpu.memref_squeeze %dma_start3A_238 : memref<1x128x64xf32, #tpu.memory_space<vmem>> -> memref<128x64xf32, #tpu.memory_space<vmem>>
      %dma_start3A_240 = arith.constant 0 : i32
      %dma_start3A_241 = tpu.memref_slice %arg4[%add3A_234, %dma_start3A_240] : memref<204800x64xf32, #tpu.memory_space<hbm>> -> memref<128x64xf32, #tpu.memory_space<hbm>>
      %dma_start3A_242 = arith.constant 0 : i32
      %dma_start3A_243 = tpu.memref_slice %arg4[%add3A_234, %dma_start3A_242] : memref<204800x64xf32, #tpu.memory_space<hbm>> -> memref<128x64xf32, #tpu.memory_space<hbm>>
      %dma_start3A_244 = arith.constant 0 : i32
      %dma_start3A_245 = arith.constant 0 : i32
      %dma_start3A_246 = tpu.memref_slice %arg6[%dma_start3A_235, %dma_start3A_244, %dma_start3A_245] : memref<10x128x64xf32, #tpu.memory_space<vmem>> -> memref<1x128x64xf32, #tpu.memory_space<vmem>>
      %dma_start3A_247 = tpu.memref_squeeze %dma_start3A_246 : memref<1x128x64xf32, #tpu.memory_space<vmem>> -> memref<128x64xf32, #tpu.memory_space<vmem>>
      tpu.enqueue_dma source(%dma_start3A_247 : memref<128x64xf32, #tpu.memory_space<vmem>>) target(%dma_start3A_243 : memref<128x64xf32, #tpu.memory_space<hbm>>) target_semaphore(%arg17 : memref<!tpu.dma_semaphore, #tpu.memory_space<semaphore_mem>>)
      %add3A_248 = arith.constant 6 : i32
      %add3A_249 = arith.addi %add3A_220, %add3A_248 : i32
      %lt3A = arith.constant 50 : i32
      %lt3A_250 = arith.cmpi slt, %add3A_249, %lt3A : i32
      %convert_element_type3A = arith.extui %lt3A_250 : i1 to i32
      %cond3A = arith.constant 0 : i32
      %cond3A_251 = arith.cmpi ne, %convert_element_type3A, %cond3A : i32
      scf.if %cond3A_251 {
        %ge3A = arith.constant 10 : i32
        %ge3A_576 = arith.cmpi sge, %add3A_249, %ge3A : i32
        %convert_element_type3A_577 = arith.extui %ge3A_576 : i1 to i32
        %cond3A_578 = arith.constant 0 : i32
        %cond3A_579 = arith.cmpi ne, %convert_element_type3A_577, %cond3A_578 : i32
        scf.if %cond3A_579 {
          %sub3A = arith.constant 10 : i32
          %sub3A_591 = arith.subi %add3A_249, %sub3A : i32
          %mul3A_592 = arith.constant 128 : i32
          %mul3A_593 = arith.muli %sub3A_591, %mul3A_592 : i32
          %add3A_594 = arith.addi %mul3A_2, %mul3A_593 : i32
          %dma_wait3A_595 = arith.constant 6 : i32
          %dma_wait3A_596 = arith.constant 0 : i32
          %dma_wait3A_597 = arith.constant 0 : i32
          %dma_wait3A_598 = tpu.memref_slice %arg6[%dma_wait3A_595, %dma_wait3A_596, %dma_wait3A_597] : memref<10x128x64xf32, #tpu.memory_space<vmem>> -> memref<1x128x64xf32, #tpu.memory_space<vmem>>
          %dma_wait3A_599 = tpu.memref_squeeze %dma_wait3A_598 : memref<1x128x64xf32, #tpu.memory_space<vmem>> -> memref<128x64xf32, #tpu.memory_space<vmem>>
          %dma_wait3A_600 = arith.constant 0 : i32
          %dma_wait3A_601 = tpu.memref_slice %arg4[%add3A_594, %dma_wait3A_600] : memref<204800x64xf32, #tpu.memory_space<hbm>> -> memref<128x64xf32, #tpu.memory_space<hbm>>
          %dma_wait3A_602 = arith.constant 0 : i32
          %dma_wait3A_603 = tpu.memref_slice %arg4[%add3A_594, %dma_wait3A_602] : memref<204800x64xf32, #tpu.memory_space<hbm>> -> memref<128x64xf32, #tpu.memory_space<hbm>>
          %dma_wait3A_604 = arith.constant 0 : i32
          %dma_wait3A_605 = arith.constant 0 : i32
          %dma_wait3A_606 = tpu.memref_slice %arg6[%dma_wait3A_595, %dma_wait3A_604, %dma_wait3A_605] : memref<10x128x64xf32, #tpu.memory_space<vmem>> -> memref<1x128x64xf32, #tpu.memory_space<vmem>>
          %dma_wait3A_607 = tpu.memref_squeeze %dma_wait3A_606 : memref<1x128x64xf32, #tpu.memory_space<vmem>> -> memref<128x64xf32, #tpu.memory_space<vmem>>
          tpu.wait_dma2 semaphore(%arg23 : memref<!tpu.dma_semaphore, #tpu.memory_space<semaphore_mem>>) src(%dma_wait3A_607 : memref<128x64xf32, #tpu.memory_space<vmem>>) dst(%dma_wait3A_603 : memref<128x64xf32, #tpu.memory_space<hbm>>)
        } else {
        }
        %mul3A_580 = arith.constant 128 : i32
        %mul3A_581 = arith.muli %add3A_249, %mul3A_580 : i32
        %dma_start3A_582 = arith.constant 6 : i32
        %dma_start3A_583 = arith.constant 0 : i32
        %dma_start3A_584 = arith.constant 0 : i32
        %dma_start3A_585 = tpu.memref_slice %arg6[%dma_start3A_582, %dma_start3A_583, %dma_start3A_584] : memref<10x128x64xf32, #tpu.memory_space<vmem>> -> memref<1x128x64xf32, #tpu.memory_space<vmem>>
        %dma_start3A_586 = tpu.memref_squeeze %dma_start3A_585 : memref<1x128x64xf32, #tpu.memory_space<vmem>> -> memref<128x64xf32, #tpu.memory_space<vmem>>
        %dma_start3A_587 = tpu.memref_slice %arg5[%mul3A_581] : memref<6400xi32, #tpu.memory_space<vmem>> -> memref<128xi32, #tpu.memory_space<vmem>>
        %dma_start3A_588 = arith.constant 0 : i32
        %dma_start3A_589 = arith.constant 0 : i32
        %dma_start3A_590 = tpu.memref_slice %arg3[%dma_start3A_588, %dma_start3A_589] : memref<100000x64xf32, #tpu.memory_space<hbm>> -> memref<100000x64xf32, #tpu.memory_space<hbm>>
        tpu.enqueue_indirect_dma source(%dma_start3A_590 : memref<100000x64xf32, #tpu.memory_space<hbm>>) target(%dma_start3A_586 : memref<128x64xf32, #tpu.memory_space<vmem>>) offsets(%dma_start3A_587 : memref<128xi32, #tpu.memory_space<vmem>>) semaphore(%arg13 : memref<!tpu.dma_semaphore, #tpu.memory_space<semaphore_mem>>)
      } else {
      }
      %add3A_252 = arith.constant 1 : i32
      %add3A_253 = arith.addi %mul3A_218, %add3A_252 : i32
      %mul3A_254 = arith.constant 128 : i32
      %mul3A_255 = arith.muli %add3A_253, %mul3A_254 : i32
      %dma_wait3A_256 = arith.constant 1 : i32
      %dma_wait3A_257 = arith.constant 0 : i32
      %dma_wait3A_258 = arith.constant 0 : i32
      %dma_wait3A_259 = tpu.memref_slice %arg6[%dma_wait3A_256, %dma_wait3A_257, %dma_wait3A_258] : memref<10x128x64xf32, #tpu.memory_space<vmem>> -> memref<1x128x64xf32, #tpu.memory_space<vmem>>
      %dma_wait3A_260 = tpu.memref_squeeze %dma_wait3A_259 : memref<1x128x64xf32, #tpu.memory_space<vmem>> -> memref<128x64xf32, #tpu.memory_space<vmem>>
      %dma_wait3A_261 = tpu.memref_slice %arg5[%mul3A_255] : memref<6400xi32, #tpu.memory_space<vmem>> -> memref<128xi32, #tpu.memory_space<vmem>>
      %dma_wait3A_262 = arith.constant 0 : i32
      %dma_wait3A_263 = arith.constant 0 : i32
      %dma_wait3A_264 = tpu.memref_slice %arg3[%dma_wait3A_262, %dma_wait3A_263] : memref<100000x64xf32, #tpu.memory_space<hbm>> -> memref<100000x64xf32, #tpu.memory_space<hbm>>
      tpu.wait_indirect_dma semaphore(%arg8 : memref<!tpu.dma_semaphore, #tpu.memory_space<semaphore_mem>>) src(%dma_wait3A_264 : memref<100000x64xf32, #tpu.memory_space<hbm>>) dst(%dma_wait3A_260 : memref<128x64xf32, #tpu.memory_space<vmem>>)
      %mul3A_265 = arith.constant 128 : i32
      %mul3A_266 = arith.muli %add3A_253, %mul3A_265 : i32
      %add3A_267 = arith.addi %mul3A_2, %mul3A_266 : i32
      %dma_start3A_268 = arith.constant 1 : i32
      %dma_start3A_269 = arith.constant 0 : i32
      %dma_start3A_270 = arith.constant 0 : i32
      %dma_start3A_271 = tpu.memref_slice %arg6[%dma_start3A_268, %dma_start3A_269, %dma_start3A_270] : memref<10x128x64xf32, #tpu.memory_space<vmem>> -> memref<1x128x64xf32, #tpu.memory_space<vmem>>
      %dma_start3A_272 = tpu.memref_squeeze %dma_start3A_271 : memref<1x128x64xf32, #tpu.memory_space<vmem>> -> memref<128x64xf32, #tpu.memory_space<vmem>>
      %dma_start3A_273 = arith.constant 0 : i32
      %dma_start3A_274 = tpu.memref_slice %arg4[%add3A_267, %dma_start3A_273] : memref<204800x64xf32, #tpu.memory_space<hbm>> -> memref<128x64xf32, #tpu.memory_space<hbm>>
      %dma_start3A_275 = arith.constant 0 : i32
      %dma_start3A_276 = tpu.memref_slice %arg4[%add3A_267, %dma_start3A_275] : memref<204800x64xf32, #tpu.memory_space<hbm>> -> memref<128x64xf32, #tpu.memory_space<hbm>>
      %dma_start3A_277 = arith.constant 0 : i32
      %dma_start3A_278 = arith.constant 0 : i32
      %dma_start3A_279 = tpu.memref_slice %arg6[%dma_start3A_268, %dma_start3A_277, %dma_start3A_278] : memref<10x128x64xf32, #tpu.memory_space<vmem>> -> memref<1x128x64xf32, #tpu.memory_space<vmem>>
      %dma_start3A_280 = tpu.memref_squeeze %dma_start3A_279 : memref<1x128x64xf32, #tpu.memory_space<vmem>> -> memref<128x64xf32, #tpu.memory_space<vmem>>
      tpu.enqueue_dma source(%dma_start3A_280 : memref<128x64xf32, #tpu.memory_space<vmem>>) target(%dma_start3A_276 : memref<128x64xf32, #tpu.memory_space<hbm>>) target_semaphore(%arg18 : memref<!tpu.dma_semaphore, #tpu.memory_space<semaphore_mem>>)
      %add3A_281 = arith.constant 6 : i32
      %add3A_282 = arith.addi %add3A_253, %add3A_281 : i32
      %lt3A_283 = arith.constant 50 : i32
      %lt3A_284 = arith.cmpi slt, %add3A_282, %lt3A_283 : i32
      %convert_element_type3A_285 = arith.extui %lt3A_284 : i1 to i32
      %cond3A_286 = arith.constant 0 : i32
      %cond3A_287 = arith.cmpi ne, %convert_element_type3A_285, %cond3A_286 : i32
      scf.if %cond3A_287 {
        %ge3A = arith.constant 10 : i32
        %ge3A_576 = arith.cmpi sge, %add3A_282, %ge3A : i32
        %convert_element_type3A_577 = arith.extui %ge3A_576 : i1 to i32
        %cond3A_578 = arith.constant 0 : i32
        %cond3A_579 = arith.cmpi ne, %convert_element_type3A_577, %cond3A_578 : i32
        scf.if %cond3A_579 {
          %sub3A = arith.constant 10 : i32
          %sub3A_591 = arith.subi %add3A_282, %sub3A : i32
          %mul3A_592 = arith.constant 128 : i32
          %mul3A_593 = arith.muli %sub3A_591, %mul3A_592 : i32
          %add3A_594 = arith.addi %mul3A_2, %mul3A_593 : i32
          %dma_wait3A_595 = arith.constant 7 : i32
          %dma_wait3A_596 = arith.constant 0 : i32
          %dma_wait3A_597 = arith.constant 0 : i32
          %dma_wait3A_598 = tpu.memref_slice %arg6[%dma_wait3A_595, %dma_wait3A_596, %dma_wait3A_597] : memref<10x128x64xf32, #tpu.memory_space<vmem>> -> memref<1x128x64xf32, #tpu.memory_space<vmem>>
          %dma_wait3A_599 = tpu.memref_squeeze %dma_wait3A_598 : memref<1x128x64xf32, #tpu.memory_space<vmem>> -> memref<128x64xf32, #tpu.memory_space<vmem>>
          %dma_wait3A_600 = arith.constant 0 : i32
          %dma_wait3A_601 = tpu.memref_slice %arg4[%add3A_594, %dma_wait3A_600] : memref<204800x64xf32, #tpu.memory_space<hbm>> -> memref<128x64xf32, #tpu.memory_space<hbm>>
          %dma_wait3A_602 = arith.constant 0 : i32
          %dma_wait3A_603 = tpu.memref_slice %arg4[%add3A_594, %dma_wait3A_602] : memref<204800x64xf32, #tpu.memory_space<hbm>> -> memref<128x64xf32, #tpu.memory_space<hbm>>
          %dma_wait3A_604 = arith.constant 0 : i32
          %dma_wait3A_605 = arith.constant 0 : i32
          %dma_wait3A_606 = tpu.memref_slice %arg6[%dma_wait3A_595, %dma_wait3A_604, %dma_wait3A_605] : memref<10x128x64xf32, #tpu.memory_space<vmem>> -> memref<1x128x64xf32, #tpu.memory_space<vmem>>
          %dma_wait3A_607 = tpu.memref_squeeze %dma_wait3A_606 : memref<1x128x64xf32, #tpu.memory_space<vmem>> -> memref<128x64xf32, #tpu.memory_space<vmem>>
          tpu.wait_dma2 semaphore(%arg24 : memref<!tpu.dma_semaphore, #tpu.memory_space<semaphore_mem>>) src(%dma_wait3A_607 : memref<128x64xf32, #tpu.memory_space<vmem>>) dst(%dma_wait3A_603 : memref<128x64xf32, #tpu.memory_space<hbm>>)
        } else {
        }
        %mul3A_580 = arith.constant 128 : i32
        %mul3A_581 = arith.muli %add3A_282, %mul3A_580 : i32
        %dma_start3A_582 = arith.constant 7 : i32
        %dma_start3A_583 = arith.constant 0 : i32
        %dma_start3A_584 = arith.constant 0 : i32
        %dma_start3A_585 = tpu.memref_slice %arg6[%dma_start3A_582, %dma_start3A_583, %dma_start3A_584] : memref<10x128x64xf32, #tpu.memory_space<vmem>> -> memref<1x128x64xf32, #tpu.memory_space<vmem>>
        %dma_start3A_586 = tpu.memref_squeeze %dma_start3A_585 : memref<1x128x64xf32, #tpu.memory_space<vmem>> -> memref<128x64xf32, #tpu.memory_space<vmem>>
        %dma_start3A_587 = tpu.memref_slice %arg5[%mul3A_581] : memref<6400xi32, #tpu.memory_space<vmem>> -> memref<128xi32, #tpu.memory_space<vmem>>
        %dma_start3A_588 = arith.constant 0 : i32
        %dma_start3A_589 = arith.constant 0 : i32
        %dma_start3A_590 = tpu.memref_slice %arg3[%dma_start3A_588, %dma_start3A_589] : memref<100000x64xf32, #tpu.memory_space<hbm>> -> memref<100000x64xf32, #tpu.memory_space<hbm>>
        tpu.enqueue_indirect_dma source(%dma_start3A_590 : memref<100000x64xf32, #tpu.memory_space<hbm>>) target(%dma_start3A_586 : memref<128x64xf32, #tpu.memory_space<vmem>>) offsets(%dma_start3A_587 : memref<128xi32, #tpu.memory_space<vmem>>) semaphore(%arg14 : memref<!tpu.dma_semaphore, #tpu.memory_space<semaphore_mem>>)
      } else {
      }
      %add3A_288 = arith.constant 2 : i32
      %add3A_289 = arith.addi %mul3A_218, %add3A_288 : i32
      %mul3A_290 = arith.constant 128 : i32
      %mul3A_291 = arith.muli %add3A_289, %mul3A_290 : i32
      %dma_wait3A_292 = arith.constant 2 : i32
      %dma_wait3A_293 = arith.constant 0 : i32
      %dma_wait3A_294 = arith.constant 0 : i32
      %dma_wait3A_295 = tpu.memref_slice %arg6[%dma_wait3A_292, %dma_wait3A_293, %dma_wait3A_294] : memref<10x128x64xf32, #tpu.memory_space<vmem>> -> memref<1x128x64xf32, #tpu.memory_space<vmem>>
      %dma_wait3A_296 = tpu.memref_squeeze %dma_wait3A_295 : memref<1x128x64xf32, #tpu.memory_space<vmem>> -> memref<128x64xf32, #tpu.memory_space<vmem>>
      %dma_wait3A_297 = tpu.memref_slice %arg5[%mul3A_291] : memref<6400xi32, #tpu.memory_space<vmem>> -> memref<128xi32, #tpu.memory_space<vmem>>
      %dma_wait3A_298 = arith.constant 0 : i32
      %dma_wait3A_299 = arith.constant 0 : i32
      %dma_wait3A_300 = tpu.memref_slice %arg3[%dma_wait3A_298, %dma_wait3A_299] : memref<100000x64xf32, #tpu.memory_space<hbm>> -> memref<100000x64xf32, #tpu.memory_space<hbm>>
      tpu.wait_indirect_dma semaphore(%arg9 : memref<!tpu.dma_semaphore, #tpu.memory_space<semaphore_mem>>) src(%dma_wait3A_300 : memref<100000x64xf32, #tpu.memory_space<hbm>>) dst(%dma_wait3A_296 : memref<128x64xf32, #tpu.memory_space<vmem>>)
      %mul3A_301 = arith.constant 128 : i32
      %mul3A_302 = arith.muli %add3A_289, %mul3A_301 : i32
      %add3A_303 = arith.addi %mul3A_2, %mul3A_302 : i32
      %dma_start3A_304 = arith.constant 2 : i32
      %dma_start3A_305 = arith.constant 0 : i32
      %dma_start3A_306 = arith.constant 0 : i32
      %dma_start3A_307 = tpu.memref_slice %arg6[%dma_start3A_304, %dma_start3A_305, %dma_start3A_306] : memref<10x128x64xf32, #tpu.memory_space<vmem>> -> memref<1x128x64xf32, #tpu.memory_space<vmem>>
      %dma_start3A_308 = tpu.memref_squeeze %dma_start3A_307 : memref<1x128x64xf32, #tpu.memory_space<vmem>> -> memref<128x64xf32, #tpu.memory_space<vmem>>
      %dma_start3A_309 = arith.constant 0 : i32
      %dma_start3A_310 = tpu.memref_slice %arg4[%add3A_303, %dma_start3A_309] : memref<204800x64xf32, #tpu.memory_space<hbm>> -> memref<128x64xf32, #tpu.memory_space<hbm>>
      %dma_start3A_311 = arith.constant 0 : i32
      %dma_start3A_312 = tpu.memref_slice %arg4[%add3A_303, %dma_start3A_311] : memref<204800x64xf32, #tpu.memory_space<hbm>> -> memref<128x64xf32, #tpu.memory_space<hbm>>
      %dma_start3A_313 = arith.constant 0 : i32
      %dma_start3A_314 = arith.constant 0 : i32
      %dma_start3A_315 = tpu.memref_slice %arg6[%dma_start3A_304, %dma_start3A_313, %dma_start3A_314] : memref<10x128x64xf32, #tpu.memory_space<vmem>> -> memref<1x128x64xf32, #tpu.memory_space<vmem>>
      %dma_start3A_316 = tpu.memref_squeeze %dma_start3A_315 : memref<1x128x64xf32, #tpu.memory_space<vmem>> -> memref<128x64xf32, #tpu.memory_space<vmem>>
      tpu.enqueue_dma source(%dma_start3A_316 : memref<128x64xf32, #tpu.memory_space<vmem>>) target(%dma_start3A_312 : memref<128x64xf32, #tpu.memory_space<hbm>>) target_semaphore(%arg19 : memref<!tpu.dma_semaphore, #tpu.memory_space<semaphore_mem>>)
      %add3A_317 = arith.constant 6 : i32
      %add3A_318 = arith.addi %add3A_289, %add3A_317 : i32
      %lt3A_319 = arith.constant 50 : i32
      %lt3A_320 = arith.cmpi slt, %add3A_318, %lt3A_319 : i32
      %convert_element_type3A_321 = arith.extui %lt3A_320 : i1 to i32
      %cond3A_322 = arith.constant 0 : i32
      %cond3A_323 = arith.cmpi ne, %convert_element_type3A_321, %cond3A_322 : i32
      scf.if %cond3A_323 {
        %ge3A = arith.constant 10 : i32
        %ge3A_576 = arith.cmpi sge, %add3A_318, %ge3A : i32
        %convert_element_type3A_577 = arith.extui %ge3A_576 : i1 to i32
        %cond3A_578 = arith.constant 0 : i32
        %cond3A_579 = arith.cmpi ne, %convert_element_type3A_577, %cond3A_578 : i32
        scf.if %cond3A_579 {
          %sub3A = arith.constant 10 : i32
          %sub3A_591 = arith.subi %add3A_318, %sub3A : i32
          %mul3A_592 = arith.constant 128 : i32
          %mul3A_593 = arith.muli %sub3A_591, %mul3A_592 : i32
          %add3A_594 = arith.addi %mul3A_2, %mul3A_593 : i32
          %dma_wait3A_595 = arith.constant 8 : i32
          %dma_wait3A_596 = arith.constant 0 : i32
          %dma_wait3A_597 = arith.constant 0 : i32
          %dma_wait3A_598 = tpu.memref_slice %arg6[%dma_wait3A_595, %dma_wait3A_596, %dma_wait3A_597] : memref<10x128x64xf32, #tpu.memory_space<vmem>> -> memref<1x128x64xf32, #tpu.memory_space<vmem>>
          %dma_wait3A_599 = tpu.memref_squeeze %dma_wait3A_598 : memref<1x128x64xf32, #tpu.memory_space<vmem>> -> memref<128x64xf32, #tpu.memory_space<vmem>>
          %dma_wait3A_600 = arith.constant 0 : i32
          %dma_wait3A_601 = tpu.memref_slice %arg4[%add3A_594, %dma_wait3A_600] : memref<204800x64xf32, #tpu.memory_space<hbm>> -> memref<128x64xf32, #tpu.memory_space<hbm>>
          %dma_wait3A_602 = arith.constant 0 : i32
          %dma_wait3A_603 = tpu.memref_slice %arg4[%add3A_594, %dma_wait3A_602] : memref<204800x64xf32, #tpu.memory_space<hbm>> -> memref<128x64xf32, #tpu.memory_space<hbm>>
          %dma_wait3A_604 = arith.constant 0 : i32
          %dma_wait3A_605 = arith.constant 0 : i32
          %dma_wait3A_606 = tpu.memref_slice %arg6[%dma_wait3A_595, %dma_wait3A_604, %dma_wait3A_605] : memref<10x128x64xf32, #tpu.memory_space<vmem>> -> memref<1x128x64xf32, #tpu.memory_space<vmem>>
          %dma_wait3A_607 = tpu.memref_squeeze %dma_wait3A_606 : memref<1x128x64xf32, #tpu.memory_space<vmem>> -> memref<128x64xf32, #tpu.memory_space<vmem>>
          tpu.wait_dma2 semaphore(%arg25 : memref<!tpu.dma_semaphore, #tpu.memory_space<semaphore_mem>>) src(%dma_wait3A_607 : memref<128x64xf32, #tpu.memory_space<vmem>>) dst(%dma_wait3A_603 : memref<128x64xf32, #tpu.memory_space<hbm>>)
        } else {
        }
        %mul3A_580 = arith.constant 128 : i32
        %mul3A_581 = arith.muli %add3A_318, %mul3A_580 : i32
        %dma_start3A_582 = arith.constant 8 : i32
        %dma_start3A_583 = arith.constant 0 : i32
        %dma_start3A_584 = arith.constant 0 : i32
        %dma_start3A_585 = tpu.memref_slice %arg6[%dma_start3A_582, %dma_start3A_583, %dma_start3A_584] : memref<10x128x64xf32, #tpu.memory_space<vmem>> -> memref<1x128x64xf32, #tpu.memory_space<vmem>>
        %dma_start3A_586 = tpu.memref_squeeze %dma_start3A_585 : memref<1x128x64xf32, #tpu.memory_space<vmem>> -> memref<128x64xf32, #tpu.memory_space<vmem>>
        %dma_start3A_587 = tpu.memref_slice %arg5[%mul3A_581] : memref<6400xi32, #tpu.memory_space<vmem>> -> memref<128xi32, #tpu.memory_space<vmem>>
        %dma_start3A_588 = arith.constant 0 : i32
        %dma_start3A_589 = arith.constant 0 : i32
        %dma_start3A_590 = tpu.memref_slice %arg3[%dma_start3A_588, %dma_start3A_589] : memref<100000x64xf32, #tpu.memory_space<hbm>> -> memref<100000x64xf32, #tpu.memory_space<hbm>>
        tpu.enqueue_indirect_dma source(%dma_start3A_590 : memref<100000x64xf32, #tpu.memory_space<hbm>>) target(%dma_start3A_586 : memref<128x64xf32, #tpu.memory_space<vmem>>) offsets(%dma_start3A_587 : memref<128xi32, #tpu.memory_space<vmem>>) semaphore(%arg15 : memref<!tpu.dma_semaphore, #tpu.memory_space<semaphore_mem>>)
      } else {
      }
      %add3A_324 = arith.constant 3 : i32
      %add3A_325 = arith.addi %mul3A_218, %add3A_324 : i32
      %mul3A_326 = arith.constant 128 : i32
      %mul3A_327 = arith.muli %add3A_325, %mul3A_326 : i32
      %dma_wait3A_328 = arith.constant 3 : i32
      %dma_wait3A_329 = arith.constant 0 : i32
      %dma_wait3A_330 = arith.constant 0 : i32
      %dma_wait3A_331 = tpu.memref_slice %arg6[%dma_wait3A_328, %dma_wait3A_329, %dma_wait3A_330] : memref<10x128x64xf32, #tpu.memory_space<vmem>> -> memref<1x128x64xf32, #tpu.memory_space<vmem>>
      %dma_wait3A_332 = tpu.memref_squeeze %dma_wait3A_331 : memref<1x128x64xf32, #tpu.memory_space<vmem>> -> memref<128x64xf32, #tpu.memory_space<vmem>>
      %dma_wait3A_333 = tpu.memref_slice %arg5[%mul3A_327] : memref<6400xi32, #tpu.memory_space<vmem>> -> memref<128xi32, #tpu.memory_space<vmem>>
      %dma_wait3A_334 = arith.constant 0 : i32
      %dma_wait3A_335 = arith.constant 0 : i32
      %dma_wait3A_336 = tpu.memref_slice %arg3[%dma_wait3A_334, %dma_wait3A_335] : memref<100000x64xf32, #tpu.memory_space<hbm>> -> memref<100000x64xf32, #tpu.memory_space<hbm>>
      tpu.wait_indirect_dma semaphore(%arg10 : memref<!tpu.dma_semaphore, #tpu.memory_space<semaphore_mem>>) src(%dma_wait3A_336 : memref<100000x64xf32, #tpu.memory_space<hbm>>) dst(%dma_wait3A_332 : memref<128x64xf32, #tpu.memory_space<vmem>>)
      %mul3A_337 = arith.constant 128 : i32
      %mul3A_338 = arith.muli %add3A_325, %mul3A_337 : i32
      %add3A_339 = arith.addi %mul3A_2, %mul3A_338 : i32
      %dma_start3A_340 = arith.constant 3 : i32
      %dma_start3A_341 = arith.constant 0 : i32
      %dma_start3A_342 = arith.constant 0 : i32
      %dma_start3A_343 = tpu.memref_slice %arg6[%dma_start3A_340, %dma_start3A_341, %dma_start3A_342] : memref<10x128x64xf32, #tpu.memory_space<vmem>> -> memref<1x128x64xf32, #tpu.memory_space<vmem>>
      %dma_start3A_344 = tpu.memref_squeeze %dma_start3A_343 : memref<1x128x64xf32, #tpu.memory_space<vmem>> -> memref<128x64xf32, #tpu.memory_space<vmem>>
      %dma_start3A_345 = arith.constant 0 : i32
      %dma_start3A_346 = tpu.memref_slice %arg4[%add3A_339, %dma_start3A_345] : memref<204800x64xf32, #tpu.memory_space<hbm>> -> memref<128x64xf32, #tpu.memory_space<hbm>>
      %dma_start3A_347 = arith.constant 0 : i32
      %dma_start3A_348 = tpu.memref_slice %arg4[%add3A_339, %dma_start3A_347] : memref<204800x64xf32, #tpu.memory_space<hbm>> -> memref<128x64xf32, #tpu.memory_space<hbm>>
      %dma_start3A_349 = arith.constant 0 : i32
      %dma_start3A_350 = arith.constant 0 : i32
      %dma_start3A_351 = tpu.memref_slice %arg6[%dma_start3A_340, %dma_start3A_349, %dma_start3A_350] : memref<10x128x64xf32, #tpu.memory_space<vmem>> -> memref<1x128x64xf32, #tpu.memory_space<vmem>>
      %dma_start3A_352 = tpu.memref_squeeze %dma_start3A_351 : memref<1x128x64xf32, #tpu.memory_space<vmem>> -> memref<128x64xf32, #tpu.memory_space<vmem>>
      tpu.enqueue_dma source(%dma_start3A_352 : memref<128x64xf32, #tpu.memory_space<vmem>>) target(%dma_start3A_348 : memref<128x64xf32, #tpu.memory_space<hbm>>) target_semaphore(%arg20 : memref<!tpu.dma_semaphore, #tpu.memory_space<semaphore_mem>>)
      %add3A_353 = arith.constant 6 : i32
      %add3A_354 = arith.addi %add3A_325, %add3A_353 : i32
      %lt3A_355 = arith.constant 50 : i32
      %lt3A_356 = arith.cmpi slt, %add3A_354, %lt3A_355 : i32
      %convert_element_type3A_357 = arith.extui %lt3A_356 : i1 to i32
      %cond3A_358 = arith.constant 0 : i32
      %cond3A_359 = arith.cmpi ne, %convert_element_type3A_357, %cond3A_358 : i32
      scf.if %cond3A_359 {
        %ge3A = arith.constant 10 : i32
        %ge3A_576 = arith.cmpi sge, %add3A_354, %ge3A : i32
        %convert_element_type3A_577 = arith.extui %ge3A_576 : i1 to i32
        %cond3A_578 = arith.constant 0 : i32
        %cond3A_579 = arith.cmpi ne, %convert_element_type3A_577, %cond3A_578 : i32
        scf.if %cond3A_579 {
          %sub3A = arith.constant 10 : i32
          %sub3A_591 = arith.subi %add3A_354, %sub3A : i32
          %mul3A_592 = arith.constant 128 : i32
          %mul3A_593 = arith.muli %sub3A_591, %mul3A_592 : i32
          %add3A_594 = arith.addi %mul3A_2, %mul3A_593 : i32
          %dma_wait3A_595 = arith.constant 9 : i32
          %dma_wait3A_596 = arith.constant 0 : i32
          %dma_wait3A_597 = arith.constant 0 : i32
          %dma_wait3A_598 = tpu.memref_slice %arg6[%dma_wait3A_595, %dma_wait3A_596, %dma_wait3A_597] : memref<10x128x64xf32, #tpu.memory_space<vmem>> -> memref<1x128x64xf32, #tpu.memory_space<vmem>>
          %dma_wait3A_599 = tpu.memref_squeeze %dma_wait3A_598 : memref<1x128x64xf32, #tpu.memory_space<vmem>> -> memref<128x64xf32, #tpu.memory_space<vmem>>
          %dma_wait3A_600 = arith.constant 0 : i32
          %dma_wait3A_601 = tpu.memref_slice %arg4[%add3A_594, %dma_wait3A_600] : memref<204800x64xf32, #tpu.memory_space<hbm>> -> memref<128x64xf32, #tpu.memory_space<hbm>>
          %dma_wait3A_602 = arith.constant 0 : i32
          %dma_wait3A_603 = tpu.memref_slice %arg4[%add3A_594, %dma_wait3A_602] : memref<204800x64xf32, #tpu.memory_space<hbm>> -> memref<128x64xf32, #tpu.memory_space<hbm>>
          %dma_wait3A_604 = arith.constant 0 : i32
          %dma_wait3A_605 = arith.constant 0 : i32
          %dma_wait3A_606 = tpu.memref_slice %arg6[%dma_wait3A_595, %dma_wait3A_604, %dma_wait3A_605] : memref<10x128x64xf32, #tpu.memory_space<vmem>> -> memref<1x128x64xf32, #tpu.memory_space<vmem>>
          %dma_wait3A_607 = tpu.memref_squeeze %dma_wait3A_606 : memref<1x128x64xf32, #tpu.memory_space<vmem>> -> memref<128x64xf32, #tpu.memory_space<vmem>>
          tpu.wait_dma2 semaphore(%arg26 : memref<!tpu.dma_semaphore, #tpu.memory_space<semaphore_mem>>) src(%dma_wait3A_607 : memref<128x64xf32, #tpu.memory_space<vmem>>) dst(%dma_wait3A_603 : memref<128x64xf32, #tpu.memory_space<hbm>>)
        } else {
        }
        %mul3A_580 = arith.constant 128 : i32
        %mul3A_581 = arith.muli %add3A_354, %mul3A_580 : i32
        %dma_start3A_582 = arith.constant 9 : i32
        %dma_start3A_583 = arith.constant 0 : i32
        %dma_start3A_584 = arith.constant 0 : i32
        %dma_start3A_585 = tpu.memref_slice %arg6[%dma_start3A_582, %dma_start3A_583, %dma_start3A_584] : memref<10x128x64xf32, #tpu.memory_space<vmem>> -> memref<1x128x64xf32, #tpu.memory_space<vmem>>
        %dma_start3A_586 = tpu.memref_squeeze %dma_start3A_585 : memref<1x128x64xf32, #tpu.memory_space<vmem>> -> memref<128x64xf32, #tpu.memory_space<vmem>>
        %dma_start3A_587 = tpu.memref_slice %arg5[%mul3A_581] : memref<6400xi32, #tpu.memory_space<vmem>> -> memref<128xi32, #tpu.memory_space<vmem>>
        %dma_start3A_588 = arith.constant 0 : i32
        %dma_start3A_589 = arith.constant 0 : i32
        %dma_start3A_590 = tpu.memref_slice %arg3[%dma_start3A_588, %dma_start3A_589] : memref<100000x64xf32, #tpu.memory_space<hbm>> -> memref<100000x64xf32, #tpu.memory_space<hbm>>
        tpu.enqueue_indirect_dma source(%dma_start3A_590 : memref<100000x64xf32, #tpu.memory_space<hbm>>) target(%dma_start3A_586 : memref<128x64xf32, #tpu.memory_space<vmem>>) offsets(%dma_start3A_587 : memref<128xi32, #tpu.memory_space<vmem>>) semaphore(%arg16 : memref<!tpu.dma_semaphore, #tpu.memory_space<semaphore_mem>>)
      } else {
      }
      %add3A_360 = arith.constant 4 : i32
      %add3A_361 = arith.addi %mul3A_218, %add3A_360 : i32
      %mul3A_362 = arith.constant 128 : i32
      %mul3A_363 = arith.muli %add3A_361, %mul3A_362 : i32
      %dma_wait3A_364 = arith.constant 4 : i32
      %dma_wait3A_365 = arith.constant 0 : i32
      %dma_wait3A_366 = arith.constant 0 : i32
      %dma_wait3A_367 = tpu.memref_slice %arg6[%dma_wait3A_364, %dma_wait3A_365, %dma_wait3A_366] : memref<10x128x64xf32, #tpu.memory_space<vmem>> -> memref<1x128x64xf32, #tpu.memory_space<vmem>>
      %dma_wait3A_368 = tpu.memref_squeeze %dma_wait3A_367 : memref<1x128x64xf32, #tpu.memory_space<vmem>> -> memref<128x64xf32, #tpu.memory_space<vmem>>
      %dma_wait3A_369 = tpu.memref_slice %arg5[%mul3A_363] : memref<6400xi32, #tpu.memory_space<vmem>> -> memref<128xi32, #tpu.memory_space<vmem>>
      %dma_wait3A_370 = arith.constant 0 : i32
      %dma_wait3A_371 = arith.constant 0 : i32
      %dma_wait3A_372 = tpu.memref_slice %arg3[%dma_wait3A_370, %dma_wait3A_371] : memref<100000x64xf32, #tpu.memory_space<hbm>> -> memref<100000x64xf32, #tpu.memory_space<hbm>>
      tpu.wait_indirect_dma semaphore(%arg11 : memref<!tpu.dma_semaphore, #tpu.memory_space<semaphore_mem>>) src(%dma_wait3A_372 : memref<100000x64xf32, #tpu.memory_space<hbm>>) dst(%dma_wait3A_368 : memref<128x64xf32, #tpu.memory_space<vmem>>)
      %mul3A_373 = arith.constant 128 : i32
      %mul3A_374 = arith.muli %add3A_361, %mul3A_373 : i32
      %add3A_375 = arith.addi %mul3A_2, %mul3A_374 : i32
      %dma_start3A_376 = arith.constant 4 : i32
      %dma_start3A_377 = arith.constant 0 : i32
      %dma_start3A_378 = arith.constant 0 : i32
      %dma_start3A_379 = tpu.memref_slice %arg6[%dma_start3A_376, %dma_start3A_377, %dma_start3A_378] : memref<10x128x64xf32, #tpu.memory_space<vmem>> -> memref<1x128x64xf32, #tpu.memory_space<vmem>>
      %dma_start3A_380 = tpu.memref_squeeze %dma_start3A_379 : memref<1x128x64xf32, #tpu.memory_space<vmem>> -> memref<128x64xf32, #tpu.memory_space<vmem>>
      %dma_start3A_381 = arith.constant 0 : i32
      %dma_start3A_382 = tpu.memref_slice %arg4[%add3A_375, %dma_start3A_381] : memref<204800x64xf32, #tpu.memory_space<hbm>> -> memref<128x64xf32, #tpu.memory_space<hbm>>
      %dma_start3A_383 = arith.constant 0 : i32
      %dma_start3A_384 = tpu.memref_slice %arg4[%add3A_375, %dma_start3A_383] : memref<204800x64xf32, #tpu.memory_space<hbm>> -> memref<128x64xf32, #tpu.memory_space<hbm>>
      %dma_start3A_385 = arith.constant 0 : i32
      %dma_start3A_386 = arith.constant 0 : i32
      %dma_start3A_387 = tpu.memref_slice %arg6[%dma_start3A_376, %dma_start3A_385, %dma_start3A_386] : memref<10x128x64xf32, #tpu.memory_space<vmem>> -> memref<1x128x64xf32, #tpu.memory_space<vmem>>
      %dma_start3A_388 = tpu.memref_squeeze %dma_start3A_387 : memref<1x128x64xf32, #tpu.memory_space<vmem>> -> memref<128x64xf32, #tpu.memory_space<vmem>>
      tpu.enqueue_dma source(%dma_start3A_388 : memref<128x64xf32, #tpu.memory_space<vmem>>) target(%dma_start3A_384 : memref<128x64xf32, #tpu.memory_space<hbm>>) target_semaphore(%arg21 : memref<!tpu.dma_semaphore, #tpu.memory_space<semaphore_mem>>)
      %add3A_389 = arith.constant 6 : i32
      %add3A_390 = arith.addi %add3A_361, %add3A_389 : i32
      %lt3A_391 = arith.constant 50 : i32
      %lt3A_392 = arith.cmpi slt, %add3A_390, %lt3A_391 : i32
      %convert_element_type3A_393 = arith.extui %lt3A_392 : i1 to i32
      %cond3A_394 = arith.constant 0 : i32
      %cond3A_395 = arith.cmpi ne, %convert_element_type3A_393, %cond3A_394 : i32
      scf.if %cond3A_395 {
        %ge3A = arith.constant 10 : i32
        %ge3A_576 = arith.cmpi sge, %add3A_390, %ge3A : i32
        %convert_element_type3A_577 = arith.extui %ge3A_576 : i1 to i32
        %cond3A_578 = arith.constant 0 : i32
        %cond3A_579 = arith.cmpi ne, %convert_element_type3A_577, %cond3A_578 : i32
        scf.if %cond3A_579 {
          %sub3A = arith.constant 10 : i32
          %sub3A_591 = arith.subi %add3A_390, %sub3A : i32
          %mul3A_592 = arith.constant 128 : i32
          %mul3A_593 = arith.muli %sub3A_591, %mul3A_592 : i32
          %add3A_594 = arith.addi %mul3A_2, %mul3A_593 : i32
          %dma_wait3A_595 = arith.constant 0 : i32
          %dma_wait3A_596 = arith.constant 0 : i32
          %dma_wait3A_597 = arith.constant 0 : i32
          %dma_wait3A_598 = tpu.memref_slice %arg6[%dma_wait3A_595, %dma_wait3A_596, %dma_wait3A_597] : memref<10x128x64xf32, #tpu.memory_space<vmem>> -> memref<1x128x64xf32, #tpu.memory_space<vmem>>
          %dma_wait3A_599 = tpu.memref_squeeze %dma_wait3A_598 : memref<1x128x64xf32, #tpu.memory_space<vmem>> -> memref<128x64xf32, #tpu.memory_space<vmem>>
          %dma_wait3A_600 = arith.constant 0 : i32
          %dma_wait3A_601 = tpu.memref_slice %arg4[%add3A_594, %dma_wait3A_600] : memref<204800x64xf32, #tpu.memory_space<hbm>> -> memref<128x64xf32, #tpu.memory_space<hbm>>
          %dma_wait3A_602 = arith.constant 0 : i32
          %dma_wait3A_603 = tpu.memref_slice %arg4[%add3A_594, %dma_wait3A_602] : memref<204800x64xf32, #tpu.memory_space<hbm>> -> memref<128x64xf32, #tpu.memory_space<hbm>>
          %dma_wait3A_604 = arith.constant 0 : i32
          %dma_wait3A_605 = arith.constant 0 : i32
          %dma_wait3A_606 = tpu.memref_slice %arg6[%dma_wait3A_595, %dma_wait3A_604, %dma_wait3A_605] : memref<10x128x64xf32, #tpu.memory_space<vmem>> -> memref<1x128x64xf32, #tpu.memory_space<vmem>>
          %dma_wait3A_607 = tpu.memref_squeeze %dma_wait3A_606 : memref<1x128x64xf32, #tpu.memory_space<vmem>> -> memref<128x64xf32, #tpu.memory_space<vmem>>
          tpu.wait_dma2 semaphore(%arg17 : memref<!tpu.dma_semaphore, #tpu.memory_space<semaphore_mem>>) src(%dma_wait3A_607 : memref<128x64xf32, #tpu.memory_space<vmem>>) dst(%dma_wait3A_603 : memref<128x64xf32, #tpu.memory_space<hbm>>)
        } else {
        }
        %mul3A_580 = arith.constant 128 : i32
        %mul3A_581 = arith.muli %add3A_390, %mul3A_580 : i32
        %dma_start3A_582 = arith.constant 0 : i32
        %dma_start3A_583 = arith.constant 0 : i32
        %dma_start3A_584 = arith.constant 0 : i32
        %dma_start3A_585 = tpu.memref_slice %arg6[%dma_start3A_582, %dma_start3A_583, %dma_start3A_584] : memref<10x128x64xf32, #tpu.memory_space<vmem>> -> memref<1x128x64xf32, #tpu.memory_space<vmem>>
        %dma_start3A_586 = tpu.memref_squeeze %dma_start3A_585 : memref<1x128x64xf32, #tpu.memory_space<vmem>> -> memref<128x64xf32, #tpu.memory_space<vmem>>
        %dma_start3A_587 = tpu.memref_slice %arg5[%mul3A_581] : memref<6400xi32, #tpu.memory_space<vmem>> -> memref<128xi32, #tpu.memory_space<vmem>>
        %dma_start3A_588 = arith.constant 0 : i32
        %dma_start3A_589 = arith.constant 0 : i32
        %dma_start3A_590 = tpu.memref_slice %arg3[%dma_start3A_588, %dma_start3A_589] : memref<100000x64xf32, #tpu.memory_space<hbm>> -> memref<100000x64xf32, #tpu.memory_space<hbm>>
        tpu.enqueue_indirect_dma source(%dma_start3A_590 : memref<100000x64xf32, #tpu.memory_space<hbm>>) target(%dma_start3A_586 : memref<128x64xf32, #tpu.memory_space<vmem>>) offsets(%dma_start3A_587 : memref<128xi32, #tpu.memory_space<vmem>>) semaphore(%arg7 : memref<!tpu.dma_semaphore, #tpu.memory_space<semaphore_mem>>)
      } else {
      }
      %add3A_396 = arith.constant 5 : i32
      %add3A_397 = arith.addi %mul3A_218, %add3A_396 : i32
      %mul3A_398 = arith.constant 128 : i32
      %mul3A_399 = arith.muli %add3A_397, %mul3A_398 : i32
      %dma_wait3A_400 = arith.constant 5 : i32
      %dma_wait3A_401 = arith.constant 0 : i32
      %dma_wait3A_402 = arith.constant 0 : i32
      %dma_wait3A_403 = tpu.memref_slice %arg6[%dma_wait3A_400, %dma_wait3A_401, %dma_wait3A_402] : memref<10x128x64xf32, #tpu.memory_space<vmem>> -> memref<1x128x64xf32, #tpu.memory_space<vmem>>
      %dma_wait3A_404 = tpu.memref_squeeze %dma_wait3A_403 : memref<1x128x64xf32, #tpu.memory_space<vmem>> -> memref<128x64xf32, #tpu.memory_space<vmem>>
      %dma_wait3A_405 = tpu.memref_slice %arg5[%mul3A_399] : memref<6400xi32, #tpu.memory_space<vmem>> -> memref<128xi32, #tpu.memory_space<vmem>>
      %dma_wait3A_406 = arith.constant 0 : i32
      %dma_wait3A_407 = arith.constant 0 : i32
      %dma_wait3A_408 = tpu.memref_slice %arg3[%dma_wait3A_406, %dma_wait3A_407] : memref<100000x64xf32, #tpu.memory_space<hbm>> -> memref<100000x64xf32, #tpu.memory_space<hbm>>
      tpu.wait_indirect_dma semaphore(%arg12 : memref<!tpu.dma_semaphore, #tpu.memory_space<semaphore_mem>>) src(%dma_wait3A_408 : memref<100000x64xf32, #tpu.memory_space<hbm>>) dst(%dma_wait3A_404 : memref<128x64xf32, #tpu.memory_space<vmem>>)
      %mul3A_409 = arith.constant 128 : i32
      %mul3A_410 = arith.muli %add3A_397, %mul3A_409 : i32
      %add3A_411 = arith.addi %mul3A_2, %mul3A_410 : i32
      %dma_start3A_412 = arith.constant 5 : i32
      %dma_start3A_413 = arith.constant 0 : i32
      %dma_start3A_414 = arith.constant 0 : i32
      %dma_start3A_415 = tpu.memref_slice %arg6[%dma_start3A_412, %dma_start3A_413, %dma_start3A_414] : memref<10x128x64xf32, #tpu.memory_space<vmem>> -> memref<1x128x64xf32, #tpu.memory_space<vmem>>
      %dma_start3A_416 = tpu.memref_squeeze %dma_start3A_415 : memref<1x128x64xf32, #tpu.memory_space<vmem>> -> memref<128x64xf32, #tpu.memory_space<vmem>>
      %dma_start3A_417 = arith.constant 0 : i32
      %dma_start3A_418 = tpu.memref_slice %arg4[%add3A_411, %dma_start3A_417] : memref<204800x64xf32, #tpu.memory_space<hbm>> -> memref<128x64xf32, #tpu.memory_space<hbm>>
      %dma_start3A_419 = arith.constant 0 : i32
      %dma_start3A_420 = tpu.memref_slice %arg4[%add3A_411, %dma_start3A_419] : memref<204800x64xf32, #tpu.memory_space<hbm>> -> memref<128x64xf32, #tpu.memory_space<hbm>>
      %dma_start3A_421 = arith.constant 0 : i32
      %dma_start3A_422 = arith.constant 0 : i32
      %dma_start3A_423 = tpu.memref_slice %arg6[%dma_start3A_412, %dma_start3A_421, %dma_start3A_422] : memref<10x128x64xf32, #tpu.memory_space<vmem>> -> memref<1x128x64xf32, #tpu.memory_space<vmem>>
      %dma_start3A_424 = tpu.memref_squeeze %dma_start3A_423 : memref<1x128x64xf32, #tpu.memory_space<vmem>> -> memref<128x64xf32, #tpu.memory_space<vmem>>
      tpu.enqueue_dma source(%dma_start3A_424 : memref<128x64xf32, #tpu.memory_space<vmem>>) target(%dma_start3A_420 : memref<128x64xf32, #tpu.memory_space<hbm>>) target_semaphore(%arg22 : memref<!tpu.dma_semaphore, #tpu.memory_space<semaphore_mem>>)
      %add3A_425 = arith.constant 6 : i32
      %add3A_426 = arith.addi %add3A_397, %add3A_425 : i32
      %lt3A_427 = arith.constant 50 : i32
      %lt3A_428 = arith.cmpi slt, %add3A_426, %lt3A_427 : i32
      %convert_element_type3A_429 = arith.extui %lt3A_428 : i1 to i32
      %cond3A_430 = arith.constant 0 : i32
      %cond3A_431 = arith.cmpi ne, %convert_element_type3A_429, %cond3A_430 : i32
      scf.if %cond3A_431 {
        %ge3A = arith.constant 10 : i32
        %ge3A_576 = arith.cmpi sge, %add3A_426, %ge3A : i32
        %convert_element_type3A_577 = arith.extui %ge3A_576 : i1 to i32
        %cond3A_578 = arith.constant 0 : i32
        %cond3A_579 = arith.cmpi ne, %convert_element_type3A_577, %cond3A_578 : i32
        scf.if %cond3A_579 {
          %sub3A = arith.constant 10 : i32
          %sub3A_591 = arith.subi %add3A_426, %sub3A : i32
          %mul3A_592 = arith.constant 128 : i32
          %mul3A_593 = arith.muli %sub3A_591, %mul3A_592 : i32
          %add3A_594 = arith.addi %mul3A_2, %mul3A_593 : i32
          %dma_wait3A_595 = arith.constant 1 : i32
          %dma_wait3A_596 = arith.constant 0 : i32
          %dma_wait3A_597 = arith.constant 0 : i32
          %dma_wait3A_598 = tpu.memref_slice %arg6[%dma_wait3A_595, %dma_wait3A_596, %dma_wait3A_597] : memref<10x128x64xf32, #tpu.memory_space<vmem>> -> memref<1x128x64xf32, #tpu.memory_space<vmem>>
          %dma_wait3A_599 = tpu.memref_squeeze %dma_wait3A_598 : memref<1x128x64xf32, #tpu.memory_space<vmem>> -> memref<128x64xf32, #tpu.memory_space<vmem>>
          %dma_wait3A_600 = arith.constant 0 : i32
          %dma_wait3A_601 = tpu.memref_slice %arg4[%add3A_594, %dma_wait3A_600] : memref<204800x64xf32, #tpu.memory_space<hbm>> -> memref<128x64xf32, #tpu.memory_space<hbm>>
          %dma_wait3A_602 = arith.constant 0 : i32
          %dma_wait3A_603 = tpu.memref_slice %arg4[%add3A_594, %dma_wait3A_602] : memref<204800x64xf32, #tpu.memory_space<hbm>> -> memref<128x64xf32, #tpu.memory_space<hbm>>
          %dma_wait3A_604 = arith.constant 0 : i32
          %dma_wait3A_605 = arith.constant 0 : i32
          %dma_wait3A_606 = tpu.memref_slice %arg6[%dma_wait3A_595, %dma_wait3A_604, %dma_wait3A_605] : memref<10x128x64xf32, #tpu.memory_space<vmem>> -> memref<1x128x64xf32, #tpu.memory_space<vmem>>
          %dma_wait3A_607 = tpu.memref_squeeze %dma_wait3A_606 : memref<1x128x64xf32, #tpu.memory_space<vmem>> -> memref<128x64xf32, #tpu.memory_space<vmem>>
          tpu.wait_dma2 semaphore(%arg18 : memref<!tpu.dma_semaphore, #tpu.memory_space<semaphore_mem>>) src(%dma_wait3A_607 : memref<128x64xf32, #tpu.memory_space<vmem>>) dst(%dma_wait3A_603 : memref<128x64xf32, #tpu.memory_space<hbm>>)
        } else {
        }
        %mul3A_580 = arith.constant 128 : i32
        %mul3A_581 = arith.muli %add3A_426, %mul3A_580 : i32
        %dma_start3A_582 = arith.constant 1 : i32
        %dma_start3A_583 = arith.constant 0 : i32
        %dma_start3A_584 = arith.constant 0 : i32
        %dma_start3A_585 = tpu.memref_slice %arg6[%dma_start3A_582, %dma_start3A_583, %dma_start3A_584] : memref<10x128x64xf32, #tpu.memory_space<vmem>> -> memref<1x128x64xf32, #tpu.memory_space<vmem>>
        %dma_start3A_586 = tpu.memref_squeeze %dma_start3A_585 : memref<1x128x64xf32, #tpu.memory_space<vmem>> -> memref<128x64xf32, #tpu.memory_space<vmem>>
        %dma_start3A_587 = tpu.memref_slice %arg5[%mul3A_581] : memref<6400xi32, #tpu.memory_space<vmem>> -> memref<128xi32, #tpu.memory_space<vmem>>
        %dma_start3A_588 = arith.constant 0 : i32
        %dma_start3A_589 = arith.constant 0 : i32
        %dma_start3A_590 = tpu.memref_slice %arg3[%dma_start3A_588, %dma_start3A_589] : memref<100000x64xf32, #tpu.memory_space<hbm>> -> memref<100000x64xf32, #tpu.memory_space<hbm>>
        tpu.enqueue_indirect_dma source(%dma_start3A_590 : memref<100000x64xf32, #tpu.memory_space<hbm>>) target(%dma_start3A_586 : memref<128x64xf32, #tpu.memory_space<vmem>>) offsets(%dma_start3A_587 : memref<128xi32, #tpu.memory_space<vmem>>) semaphore(%arg8 : memref<!tpu.dma_semaphore, #tpu.memory_space<semaphore_mem>>)
      } else {
      }
      %add3A_432 = arith.constant 6 : i32
      %add3A_433 = arith.addi %mul3A_218, %add3A_432 : i32
      %mul3A_434 = arith.constant 128 : i32
      %mul3A_435 = arith.muli %add3A_433, %mul3A_434 : i32
      %dma_wait3A_436 = arith.constant 6 : i32
      %dma_wait3A_437 = arith.constant 0 : i32
      %dma_wait3A_438 = arith.constant 0 : i32
      %dma_wait3A_439 = tpu.memref_slice %arg6[%dma_wait3A_436, %dma_wait3A_437, %dma_wait3A_438] : memref<10x128x64xf32, #tpu.memory_space<vmem>> -> memref<1x128x64xf32, #tpu.memory_space<vmem>>
      %dma_wait3A_440 = tpu.memref_squeeze %dma_wait3A_439 : memref<1x128x64xf32, #tpu.memory_space<vmem>> -> memref<128x64xf32, #tpu.memory_space<vmem>>
      %dma_wait3A_441 = tpu.memref_slice %arg5[%mul3A_435] : memref<6400xi32, #tpu.memory_space<vmem>> -> memref<128xi32, #tpu.memory_space<vmem>>
      %dma_wait3A_442 = arith.constant 0 : i32
      %dma_wait3A_443 = arith.constant 0 : i32
      %dma_wait3A_444 = tpu.memref_slice %arg3[%dma_wait3A_442, %dma_wait3A_443] : memref<100000x64xf32, #tpu.memory_space<hbm>> -> memref<100000x64xf32, #tpu.memory_space<hbm>>
      tpu.wait_indirect_dma semaphore(%arg13 : memref<!tpu.dma_semaphore, #tpu.memory_space<semaphore_mem>>) src(%dma_wait3A_444 : memref<100000x64xf32, #tpu.memory_space<hbm>>) dst(%dma_wait3A_440 : memref<128x64xf32, #tpu.memory_space<vmem>>)
      %mul3A_445 = arith.constant 128 : i32
      %mul3A_446 = arith.muli %add3A_433, %mul3A_445 : i32
      %add3A_447 = arith.addi %mul3A_2, %mul3A_446 : i32
      %dma_start3A_448 = arith.constant 6 : i32
      %dma_start3A_449 = arith.constant 0 : i32
      %dma_start3A_450 = arith.constant 0 : i32
      %dma_start3A_451 = tpu.memref_slice %arg6[%dma_start3A_448, %dma_start3A_449, %dma_start3A_450] : memref<10x128x64xf32, #tpu.memory_space<vmem>> -> memref<1x128x64xf32, #tpu.memory_space<vmem>>
      %dma_start3A_452 = tpu.memref_squeeze %dma_start3A_451 : memref<1x128x64xf32, #tpu.memory_space<vmem>> -> memref<128x64xf32, #tpu.memory_space<vmem>>
      %dma_start3A_453 = arith.constant 0 : i32
      %dma_start3A_454 = tpu.memref_slice %arg4[%add3A_447, %dma_start3A_453] : memref<204800x64xf32, #tpu.memory_space<hbm>> -> memref<128x64xf32, #tpu.memory_space<hbm>>
      %dma_start3A_455 = arith.constant 0 : i32
      %dma_start3A_456 = tpu.memref_slice %arg4[%add3A_447, %dma_start3A_455] : memref<204800x64xf32, #tpu.memory_space<hbm>> -> memref<128x64xf32, #tpu.memory_space<hbm>>
      %dma_start3A_457 = arith.constant 0 : i32
      %dma_start3A_458 = arith.constant 0 : i32
      %dma_start3A_459 = tpu.memref_slice %arg6[%dma_start3A_448, %dma_start3A_457, %dma_start3A_458] : memref<10x128x64xf32, #tpu.memory_space<vmem>> -> memref<1x128x64xf32, #tpu.memory_space<vmem>>
      %dma_start3A_460 = tpu.memref_squeeze %dma_start3A_459 : memref<1x128x64xf32, #tpu.memory_space<vmem>> -> memref<128x64xf32, #tpu.memory_space<vmem>>
      tpu.enqueue_dma source(%dma_start3A_460 : memref<128x64xf32, #tpu.memory_space<vmem>>) target(%dma_start3A_456 : memref<128x64xf32, #tpu.memory_space<hbm>>) target_semaphore(%arg23 : memref<!tpu.dma_semaphore, #tpu.memory_space<semaphore_mem>>)
      %add3A_461 = arith.constant 6 : i32
      %add3A_462 = arith.addi %add3A_433, %add3A_461 : i32
      %lt3A_463 = arith.constant 50 : i32
      %lt3A_464 = arith.cmpi slt, %add3A_462, %lt3A_463 : i32
      %convert_element_type3A_465 = arith.extui %lt3A_464 : i1 to i32
      %cond3A_466 = arith.constant 0 : i32
      %cond3A_467 = arith.cmpi ne, %convert_element_type3A_465, %cond3A_466 : i32
      scf.if %cond3A_467 {
        %ge3A = arith.constant 10 : i32
        %ge3A_576 = arith.cmpi sge, %add3A_462, %ge3A : i32
        %convert_element_type3A_577 = arith.extui %ge3A_576 : i1 to i32
        %cond3A_578 = arith.constant 0 : i32
        %cond3A_579 = arith.cmpi ne, %convert_element_type3A_577, %cond3A_578 : i32
        scf.if %cond3A_579 {
          %sub3A = arith.constant 10 : i32
          %sub3A_591 = arith.subi %add3A_462, %sub3A : i32
          %mul3A_592 = arith.constant 128 : i32
          %mul3A_593 = arith.muli %sub3A_591, %mul3A_592 : i32
          %add3A_594 = arith.addi %mul3A_2, %mul3A_593 : i32
          %dma_wait3A_595 = arith.constant 2 : i32
          %dma_wait3A_596 = arith.constant 0 : i32
          %dma_wait3A_597 = arith.constant 0 : i32
          %dma_wait3A_598 = tpu.memref_slice %arg6[%dma_wait3A_595, %dma_wait3A_596, %dma_wait3A_597] : memref<10x128x64xf32, #tpu.memory_space<vmem>> -> memref<1x128x64xf32, #tpu.memory_space<vmem>>
          %dma_wait3A_599 = tpu.memref_squeeze %dma_wait3A_598 : memref<1x128x64xf32, #tpu.memory_space<vmem>> -> memref<128x64xf32, #tpu.memory_space<vmem>>
          %dma_wait3A_600 = arith.constant 0 : i32
          %dma_wait3A_601 = tpu.memref_slice %arg4[%add3A_594, %dma_wait3A_600] : memref<204800x64xf32, #tpu.memory_space<hbm>> -> memref<128x64xf32, #tpu.memory_space<hbm>>
          %dma_wait3A_602 = arith.constant 0 : i32
          %dma_wait3A_603 = tpu.memref_slice %arg4[%add3A_594, %dma_wait3A_602] : memref<204800x64xf32, #tpu.memory_space<hbm>> -> memref<128x64xf32, #tpu.memory_space<hbm>>
          %dma_wait3A_604 = arith.constant 0 : i32
          %dma_wait3A_605 = arith.constant 0 : i32
          %dma_wait3A_606 = tpu.memref_slice %arg6[%dma_wait3A_595, %dma_wait3A_604, %dma_wait3A_605] : memref<10x128x64xf32, #tpu.memory_space<vmem>> -> memref<1x128x64xf32, #tpu.memory_space<vmem>>
          %dma_wait3A_607 = tpu.memref_squeeze %dma_wait3A_606 : memref<1x128x64xf32, #tpu.memory_space<vmem>> -> memref<128x64xf32, #tpu.memory_space<vmem>>
          tpu.wait_dma2 semaphore(%arg19 : memref<!tpu.dma_semaphore, #tpu.memory_space<semaphore_mem>>) src(%dma_wait3A_607 : memref<128x64xf32, #tpu.memory_space<vmem>>) dst(%dma_wait3A_603 : memref<128x64xf32, #tpu.memory_space<hbm>>)
        } else {
        }
        %mul3A_580 = arith.constant 128 : i32
        %mul3A_581 = arith.muli %add3A_462, %mul3A_580 : i32
        %dma_start3A_582 = arith.constant 2 : i32
        %dma_start3A_583 = arith.constant 0 : i32
        %dma_start3A_584 = arith.constant 0 : i32
        %dma_start3A_585 = tpu.memref_slice %arg6[%dma_start3A_582, %dma_start3A_583, %dma_start3A_584] : memref<10x128x64xf32, #tpu.memory_space<vmem>> -> memref<1x128x64xf32, #tpu.memory_space<vmem>>
        %dma_start3A_586 = tpu.memref_squeeze %dma_start3A_585 : memref<1x128x64xf32, #tpu.memory_space<vmem>> -> memref<128x64xf32, #tpu.memory_space<vmem>>
        %dma_start3A_587 = tpu.memref_slice %arg5[%mul3A_581] : memref<6400xi32, #tpu.memory_space<vmem>> -> memref<128xi32, #tpu.memory_space<vmem>>
        %dma_start3A_588 = arith.constant 0 : i32
        %dma_start3A_589 = arith.constant 0 : i32
        %dma_start3A_590 = tpu.memref_slice %arg3[%dma_start3A_588, %dma_start3A_589] : memref<100000x64xf32, #tpu.memory_space<hbm>> -> memref<100000x64xf32, #tpu.memory_space<hbm>>
        tpu.enqueue_indirect_dma source(%dma_start3A_590 : memref<100000x64xf32, #tpu.memory_space<hbm>>) target(%dma_start3A_586 : memref<128x64xf32, #tpu.memory_space<vmem>>) offsets(%dma_start3A_587 : memref<128xi32, #tpu.memory_space<vmem>>) semaphore(%arg9 : memref<!tpu.dma_semaphore, #tpu.memory_space<semaphore_mem>>)
      } else {
      }
      %add3A_468 = arith.constant 7 : i32
      %add3A_469 = arith.addi %mul3A_218, %add3A_468 : i32
      %mul3A_470 = arith.constant 128 : i32
      %mul3A_471 = arith.muli %add3A_469, %mul3A_470 : i32
      %dma_wait3A_472 = arith.constant 7 : i32
      %dma_wait3A_473 = arith.constant 0 : i32
      %dma_wait3A_474 = arith.constant 0 : i32
      %dma_wait3A_475 = tpu.memref_slice %arg6[%dma_wait3A_472, %dma_wait3A_473, %dma_wait3A_474] : memref<10x128x64xf32, #tpu.memory_space<vmem>> -> memref<1x128x64xf32, #tpu.memory_space<vmem>>
      %dma_wait3A_476 = tpu.memref_squeeze %dma_wait3A_475 : memref<1x128x64xf32, #tpu.memory_space<vmem>> -> memref<128x64xf32, #tpu.memory_space<vmem>>
      %dma_wait3A_477 = tpu.memref_slice %arg5[%mul3A_471] : memref<6400xi32, #tpu.memory_space<vmem>> -> memref<128xi32, #tpu.memory_space<vmem>>
      %dma_wait3A_478 = arith.constant 0 : i32
      %dma_wait3A_479 = arith.constant 0 : i32
      %dma_wait3A_480 = tpu.memref_slice %arg3[%dma_wait3A_478, %dma_wait3A_479] : memref<100000x64xf32, #tpu.memory_space<hbm>> -> memref<100000x64xf32, #tpu.memory_space<hbm>>
      tpu.wait_indirect_dma semaphore(%arg14 : memref<!tpu.dma_semaphore, #tpu.memory_space<semaphore_mem>>) src(%dma_wait3A_480 : memref<100000x64xf32, #tpu.memory_space<hbm>>) dst(%dma_wait3A_476 : memref<128x64xf32, #tpu.memory_space<vmem>>)
      %mul3A_481 = arith.constant 128 : i32
      %mul3A_482 = arith.muli %add3A_469, %mul3A_481 : i32
      %add3A_483 = arith.addi %mul3A_2, %mul3A_482 : i32
      %dma_start3A_484 = arith.constant 7 : i32
      %dma_start3A_485 = arith.constant 0 : i32
      %dma_start3A_486 = arith.constant 0 : i32
      %dma_start3A_487 = tpu.memref_slice %arg6[%dma_start3A_484, %dma_start3A_485, %dma_start3A_486] : memref<10x128x64xf32, #tpu.memory_space<vmem>> -> memref<1x128x64xf32, #tpu.memory_space<vmem>>
      %dma_start3A_488 = tpu.memref_squeeze %dma_start3A_487 : memref<1x128x64xf32, #tpu.memory_space<vmem>> -> memref<128x64xf32, #tpu.memory_space<vmem>>
      %dma_start3A_489 = arith.constant 0 : i32
      %dma_start3A_490 = tpu.memref_slice %arg4[%add3A_483, %dma_start3A_489] : memref<204800x64xf32, #tpu.memory_space<hbm>> -> memref<128x64xf32, #tpu.memory_space<hbm>>
      %dma_start3A_491 = arith.constant 0 : i32
      %dma_start3A_492 = tpu.memref_slice %arg4[%add3A_483, %dma_start3A_491] : memref<204800x64xf32, #tpu.memory_space<hbm>> -> memref<128x64xf32, #tpu.memory_space<hbm>>
      %dma_start3A_493 = arith.constant 0 : i32
      %dma_start3A_494 = arith.constant 0 : i32
      %dma_start3A_495 = tpu.memref_slice %arg6[%dma_start3A_484, %dma_start3A_493, %dma_start3A_494] : memref<10x128x64xf32, #tpu.memory_space<vmem>> -> memref<1x128x64xf32, #tpu.memory_space<vmem>>
      %dma_start3A_496 = tpu.memref_squeeze %dma_start3A_495 : memref<1x128x64xf32, #tpu.memory_space<vmem>> -> memref<128x64xf32, #tpu.memory_space<vmem>>
      tpu.enqueue_dma source(%dma_start3A_496 : memref<128x64xf32, #tpu.memory_space<vmem>>) target(%dma_start3A_492 : memref<128x64xf32, #tpu.memory_space<hbm>>) target_semaphore(%arg24 : memref<!tpu.dma_semaphore, #tpu.memory_space<semaphore_mem>>)
      %add3A_497 = arith.constant 6 : i32
      %add3A_498 = arith.addi %add3A_469, %add3A_497 : i32
      %lt3A_499 = arith.constant 50 : i32
      %lt3A_500 = arith.cmpi slt, %add3A_498, %lt3A_499 : i32
      %convert_element_type3A_501 = arith.extui %lt3A_500 : i1 to i32
      %cond3A_502 = arith.constant 0 : i32
      %cond3A_503 = arith.cmpi ne, %convert_element_type3A_501, %cond3A_502 : i32
      scf.if %cond3A_503 {
        %ge3A = arith.constant 10 : i32
        %ge3A_576 = arith.cmpi sge, %add3A_498, %ge3A : i32
        %convert_element_type3A_577 = arith.extui %ge3A_576 : i1 to i32
        %cond3A_578 = arith.constant 0 : i32
        %cond3A_579 = arith.cmpi ne, %convert_element_type3A_577, %cond3A_578 : i32
        scf.if %cond3A_579 {
          %sub3A = arith.constant 10 : i32
          %sub3A_591 = arith.subi %add3A_498, %sub3A : i32
          %mul3A_592 = arith.constant 128 : i32
          %mul3A_593 = arith.muli %sub3A_591, %mul3A_592 : i32
          %add3A_594 = arith.addi %mul3A_2, %mul3A_593 : i32
          %dma_wait3A_595 = arith.constant 3 : i32
          %dma_wait3A_596 = arith.constant 0 : i32
          %dma_wait3A_597 = arith.constant 0 : i32
          %dma_wait3A_598 = tpu.memref_slice %arg6[%dma_wait3A_595, %dma_wait3A_596, %dma_wait3A_597] : memref<10x128x64xf32, #tpu.memory_space<vmem>> -> memref<1x128x64xf32, #tpu.memory_space<vmem>>
          %dma_wait3A_599 = tpu.memref_squeeze %dma_wait3A_598 : memref<1x128x64xf32, #tpu.memory_space<vmem>> -> memref<128x64xf32, #tpu.memory_space<vmem>>
          %dma_wait3A_600 = arith.constant 0 : i32
          %dma_wait3A_601 = tpu.memref_slice %arg4[%add3A_594, %dma_wait3A_600] : memref<204800x64xf32, #tpu.memory_space<hbm>> -> memref<128x64xf32, #tpu.memory_space<hbm>>
          %dma_wait3A_602 = arith.constant 0 : i32
          %dma_wait3A_603 = tpu.memref_slice %arg4[%add3A_594, %dma_wait3A_602] : memref<204800x64xf32, #tpu.memory_space<hbm>> -> memref<128x64xf32, #tpu.memory_space<hbm>>
          %dma_wait3A_604 = arith.constant 0 : i32
          %dma_wait3A_605 = arith.constant 0 : i32
          %dma_wait3A_606 = tpu.memref_slice %arg6[%dma_wait3A_595, %dma_wait3A_604, %dma_wait3A_605] : memref<10x128x64xf32, #tpu.memory_space<vmem>> -> memref<1x128x64xf32, #tpu.memory_space<vmem>>
          %dma_wait3A_607 = tpu.memref_squeeze %dma_wait3A_606 : memref<1x128x64xf32, #tpu.memory_space<vmem>> -> memref<128x64xf32, #tpu.memory_space<vmem>>
          tpu.wait_dma2 semaphore(%arg20 : memref<!tpu.dma_semaphore, #tpu.memory_space<semaphore_mem>>) src(%dma_wait3A_607 : memref<128x64xf32, #tpu.memory_space<vmem>>) dst(%dma_wait3A_603 : memref<128x64xf32, #tpu.memory_space<hbm>>)
        } else {
        }
        %mul3A_580 = arith.constant 128 : i32
        %mul3A_581 = arith.muli %add3A_498, %mul3A_580 : i32
        %dma_start3A_582 = arith.constant 3 : i32
        %dma_start3A_583 = arith.constant 0 : i32
        %dma_start3A_584 = arith.constant 0 : i32
        %dma_start3A_585 = tpu.memref_slice %arg6[%dma_start3A_582, %dma_start3A_583, %dma_start3A_584] : memref<10x128x64xf32, #tpu.memory_space<vmem>> -> memref<1x128x64xf32, #tpu.memory_space<vmem>>
        %dma_start3A_586 = tpu.memref_squeeze %dma_start3A_585 : memref<1x128x64xf32, #tpu.memory_space<vmem>> -> memref<128x64xf32, #tpu.memory_space<vmem>>
        %dma_start3A_587 = tpu.memref_slice %arg5[%mul3A_581] : memref<6400xi32, #tpu.memory_space<vmem>> -> memref<128xi32, #tpu.memory_space<vmem>>
        %dma_start3A_588 = arith.constant 0 : i32
        %dma_start3A_589 = arith.constant 0 : i32
        %dma_start3A_590 = tpu.memref_slice %arg3[%dma_start3A_588, %dma_start3A_589] : memref<100000x64xf32, #tpu.memory_space<hbm>> -> memref<100000x64xf32, #tpu.memory_space<hbm>>
        tpu.enqueue_indirect_dma source(%dma_start3A_590 : memref<100000x64xf32, #tpu.memory_space<hbm>>) target(%dma_start3A_586 : memref<128x64xf32, #tpu.memory_space<vmem>>) offsets(%dma_start3A_587 : memref<128xi32, #tpu.memory_space<vmem>>) semaphore(%arg10 : memref<!tpu.dma_semaphore, #tpu.memory_space<semaphore_mem>>)
      } else {
      }
      %add3A_504 = arith.constant 8 : i32
      %add3A_505 = arith.addi %mul3A_218, %add3A_504 : i32
      %mul3A_506 = arith.constant 128 : i32
      %mul3A_507 = arith.muli %add3A_505, %mul3A_506 : i32
      %dma_wait3A_508 = arith.constant 8 : i32
      %dma_wait3A_509 = arith.constant 0 : i32
      %dma_wait3A_510 = arith.constant 0 : i32
      %dma_wait3A_511 = tpu.memref_slice %arg6[%dma_wait3A_508, %dma_wait3A_509, %dma_wait3A_510] : memref<10x128x64xf32, #tpu.memory_space<vmem>> -> memref<1x128x64xf32, #tpu.memory_space<vmem>>
      %dma_wait3A_512 = tpu.memref_squeeze %dma_wait3A_511 : memref<1x128x64xf32, #tpu.memory_space<vmem>> -> memref<128x64xf32, #tpu.memory_space<vmem>>
      %dma_wait3A_513 = tpu.memref_slice %arg5[%mul3A_507] : memref<6400xi32, #tpu.memory_space<vmem>> -> memref<128xi32, #tpu.memory_space<vmem>>
      %dma_wait3A_514 = arith.constant 0 : i32
      %dma_wait3A_515 = arith.constant 0 : i32
      %dma_wait3A_516 = tpu.memref_slice %arg3[%dma_wait3A_514, %dma_wait3A_515] : memref<100000x64xf32, #tpu.memory_space<hbm>> -> memref<100000x64xf32, #tpu.memory_space<hbm>>
      tpu.wait_indirect_dma semaphore(%arg15 : memref<!tpu.dma_semaphore, #tpu.memory_space<semaphore_mem>>) src(%dma_wait3A_516 : memref<100000x64xf32, #tpu.memory_space<hbm>>) dst(%dma_wait3A_512 : memref<128x64xf32, #tpu.memory_space<vmem>>)
      %mul3A_517 = arith.constant 128 : i32
      %mul3A_518 = arith.muli %add3A_505, %mul3A_517 : i32
      %add3A_519 = arith.addi %mul3A_2, %mul3A_518 : i32
      %dma_start3A_520 = arith.constant 8 : i32
      %dma_start3A_521 = arith.constant 0 : i32
      %dma_start3A_522 = arith.constant 0 : i32
      %dma_start3A_523 = tpu.memref_slice %arg6[%dma_start3A_520, %dma_start3A_521, %dma_start3A_522] : memref<10x128x64xf32, #tpu.memory_space<vmem>> -> memref<1x128x64xf32, #tpu.memory_space<vmem>>
      %dma_start3A_524 = tpu.memref_squeeze %dma_start3A_523 : memref<1x128x64xf32, #tpu.memory_space<vmem>> -> memref<128x64xf32, #tpu.memory_space<vmem>>
      %dma_start3A_525 = arith.constant 0 : i32
      %dma_start3A_526 = tpu.memref_slice %arg4[%add3A_519, %dma_start3A_525] : memref<204800x64xf32, #tpu.memory_space<hbm>> -> memref<128x64xf32, #tpu.memory_space<hbm>>
      %dma_start3A_527 = arith.constant 0 : i32
      %dma_start3A_528 = tpu.memref_slice %arg4[%add3A_519, %dma_start3A_527] : memref<204800x64xf32, #tpu.memory_space<hbm>> -> memref<128x64xf32, #tpu.memory_space<hbm>>
      %dma_start3A_529 = arith.constant 0 : i32
      %dma_start3A_530 = arith.constant 0 : i32
      %dma_start3A_531 = tpu.memref_slice %arg6[%dma_start3A_520, %dma_start3A_529, %dma_start3A_530] : memref<10x128x64xf32, #tpu.memory_space<vmem>> -> memref<1x128x64xf32, #tpu.memory_space<vmem>>
      %dma_start3A_532 = tpu.memref_squeeze %dma_start3A_531 : memref<1x128x64xf32, #tpu.memory_space<vmem>> -> memref<128x64xf32, #tpu.memory_space<vmem>>
      tpu.enqueue_dma source(%dma_start3A_532 : memref<128x64xf32, #tpu.memory_space<vmem>>) target(%dma_start3A_528 : memref<128x64xf32, #tpu.memory_space<hbm>>) target_semaphore(%arg25 : memref<!tpu.dma_semaphore, #tpu.memory_space<semaphore_mem>>)
      %add3A_533 = arith.constant 6 : i32
      %add3A_534 = arith.addi %add3A_505, %add3A_533 : i32
      %lt3A_535 = arith.constant 50 : i32
      %lt3A_536 = arith.cmpi slt, %add3A_534, %lt3A_535 : i32
      %convert_element_type3A_537 = arith.extui %lt3A_536 : i1 to i32
      %cond3A_538 = arith.constant 0 : i32
      %cond3A_539 = arith.cmpi ne, %convert_element_type3A_537, %cond3A_538 : i32
      scf.if %cond3A_539 {
        %ge3A = arith.constant 10 : i32
        %ge3A_576 = arith.cmpi sge, %add3A_534, %ge3A : i32
        %convert_element_type3A_577 = arith.extui %ge3A_576 : i1 to i32
        %cond3A_578 = arith.constant 0 : i32
        %cond3A_579 = arith.cmpi ne, %convert_element_type3A_577, %cond3A_578 : i32
        scf.if %cond3A_579 {
          %sub3A = arith.constant 10 : i32
          %sub3A_591 = arith.subi %add3A_534, %sub3A : i32
          %mul3A_592 = arith.constant 128 : i32
          %mul3A_593 = arith.muli %sub3A_591, %mul3A_592 : i32
          %add3A_594 = arith.addi %mul3A_2, %mul3A_593 : i32
          %dma_wait3A_595 = arith.constant 4 : i32
          %dma_wait3A_596 = arith.constant 0 : i32
          %dma_wait3A_597 = arith.constant 0 : i32
          %dma_wait3A_598 = tpu.memref_slice %arg6[%dma_wait3A_595, %dma_wait3A_596, %dma_wait3A_597] : memref<10x128x64xf32, #tpu.memory_space<vmem>> -> memref<1x128x64xf32, #tpu.memory_space<vmem>>
          %dma_wait3A_599 = tpu.memref_squeeze %dma_wait3A_598 : memref<1x128x64xf32, #tpu.memory_space<vmem>> -> memref<128x64xf32, #tpu.memory_space<vmem>>
          %dma_wait3A_600 = arith.constant 0 : i32
          %dma_wait3A_601 = tpu.memref_slice %arg4[%add3A_594, %dma_wait3A_600] : memref<204800x64xf32, #tpu.memory_space<hbm>> -> memref<128x64xf32, #tpu.memory_space<hbm>>
          %dma_wait3A_602 = arith.constant 0 : i32
          %dma_wait3A_603 = tpu.memref_slice %arg4[%add3A_594, %dma_wait3A_602] : memref<204800x64xf32, #tpu.memory_space<hbm>> -> memref<128x64xf32, #tpu.memory_space<hbm>>
          %dma_wait3A_604 = arith.constant 0 : i32
          %dma_wait3A_605 = arith.constant 0 : i32
          %dma_wait3A_606 = tpu.memref_slice %arg6[%dma_wait3A_595, %dma_wait3A_604, %dma_wait3A_605] : memref<10x128x64xf32, #tpu.memory_space<vmem>> -> memref<1x128x64xf32, #tpu.memory_space<vmem>>
          %dma_wait3A_607 = tpu.memref_squeeze %dma_wait3A_606 : memref<1x128x64xf32, #tpu.memory_space<vmem>> -> memref<128x64xf32, #tpu.memory_space<vmem>>
          tpu.wait_dma2 semaphore(%arg21 : memref<!tpu.dma_semaphore, #tpu.memory_space<semaphore_mem>>) src(%dma_wait3A_607 : memref<128x64xf32, #tpu.memory_space<vmem>>) dst(%dma_wait3A_603 : memref<128x64xf32, #tpu.memory_space<hbm>>)
        } else {
        }
        %mul3A_580 = arith.constant 128 : i32
        %mul3A_581 = arith.muli %add3A_534, %mul3A_580 : i32
        %dma_start3A_582 = arith.constant 4 : i32
        %dma_start3A_583 = arith.constant 0 : i32
        %dma_start3A_584 = arith.constant 0 : i32
        %dma_start3A_585 = tpu.memref_slice %arg6[%dma_start3A_582, %dma_start3A_583, %dma_start3A_584] : memref<10x128x64xf32, #tpu.memory_space<vmem>> -> memref<1x128x64xf32, #tpu.memory_space<vmem>>
        %dma_start3A_586 = tpu.memref_squeeze %dma_start3A_585 : memref<1x128x64xf32, #tpu.memory_space<vmem>> -> memref<128x64xf32, #tpu.memory_space<vmem>>
        %dma_start3A_587 = tpu.memref_slice %arg5[%mul3A_581] : memref<6400xi32, #tpu.memory_space<vmem>> -> memref<128xi32, #tpu.memory_space<vmem>>
        %dma_start3A_588 = arith.constant 0 : i32
        %dma_start3A_589 = arith.constant 0 : i32
        %dma_start3A_590 = tpu.memref_slice %arg3[%dma_start3A_588, %dma_start3A_589] : memref<100000x64xf32, #tpu.memory_space<hbm>> -> memref<100000x64xf32, #tpu.memory_space<hbm>>
        tpu.enqueue_indirect_dma source(%dma_start3A_590 : memref<100000x64xf32, #tpu.memory_space<hbm>>) target(%dma_start3A_586 : memref<128x64xf32, #tpu.memory_space<vmem>>) offsets(%dma_start3A_587 : memref<128xi32, #tpu.memory_space<vmem>>) semaphore(%arg11 : memref<!tpu.dma_semaphore, #tpu.memory_space<semaphore_mem>>)
      } else {
      }
      %add3A_540 = arith.constant 9 : i32
      %add3A_541 = arith.addi %mul3A_218, %add3A_540 : i32
      %mul3A_542 = arith.constant 128 : i32
      %mul3A_543 = arith.muli %add3A_541, %mul3A_542 : i32
      %dma_wait3A_544 = arith.constant 9 : i32
      %dma_wait3A_545 = arith.constant 0 : i32
      %dma_wait3A_546 = arith.constant 0 : i32
      %dma_wait3A_547 = tpu.memref_slice %arg6[%dma_wait3A_544, %dma_wait3A_545, %dma_wait3A_546] : memref<10x128x64xf32, #tpu.memory_space<vmem>> -> memref<1x128x64xf32, #tpu.memory_space<vmem>>
      %dma_wait3A_548 = tpu.memref_squeeze %dma_wait3A_547 : memref<1x128x64xf32, #tpu.memory_space<vmem>> -> memref<128x64xf32, #tpu.memory_space<vmem>>
      %dma_wait3A_549 = tpu.memref_slice %arg5[%mul3A_543] : memref<6400xi32, #tpu.memory_space<vmem>> -> memref<128xi32, #tpu.memory_space<vmem>>
      %dma_wait3A_550 = arith.constant 0 : i32
      %dma_wait3A_551 = arith.constant 0 : i32
      %dma_wait3A_552 = tpu.memref_slice %arg3[%dma_wait3A_550, %dma_wait3A_551] : memref<100000x64xf32, #tpu.memory_space<hbm>> -> memref<100000x64xf32, #tpu.memory_space<hbm>>
      tpu.wait_indirect_dma semaphore(%arg16 : memref<!tpu.dma_semaphore, #tpu.memory_space<semaphore_mem>>) src(%dma_wait3A_552 : memref<100000x64xf32, #tpu.memory_space<hbm>>) dst(%dma_wait3A_548 : memref<128x64xf32, #tpu.memory_space<vmem>>)
      %mul3A_553 = arith.constant 128 : i32
      %mul3A_554 = arith.muli %add3A_541, %mul3A_553 : i32
      %add3A_555 = arith.addi %mul3A_2, %mul3A_554 : i32
      %dma_start3A_556 = arith.constant 9 : i32
      %dma_start3A_557 = arith.constant 0 : i32
      %dma_start3A_558 = arith.constant 0 : i32
      %dma_start3A_559 = tpu.memref_slice %arg6[%dma_start3A_556, %dma_start3A_557, %dma_start3A_558] : memref<10x128x64xf32, #tpu.memory_space<vmem>> -> memref<1x128x64xf32, #tpu.memory_space<vmem>>
      %dma_start3A_560 = tpu.memref_squeeze %dma_start3A_559 : memref<1x128x64xf32, #tpu.memory_space<vmem>> -> memref<128x64xf32, #tpu.memory_space<vmem>>
      %dma_start3A_561 = arith.constant 0 : i32
      %dma_start3A_562 = tpu.memref_slice %arg4[%add3A_555, %dma_start3A_561] : memref<204800x64xf32, #tpu.memory_space<hbm>> -> memref<128x64xf32, #tpu.memory_space<hbm>>
      %dma_start3A_563 = arith.constant 0 : i32
      %dma_start3A_564 = tpu.memref_slice %arg4[%add3A_555, %dma_start3A_563] : memref<204800x64xf32, #tpu.memory_space<hbm>> -> memref<128x64xf32, #tpu.memory_space<hbm>>
      %dma_start3A_565 = arith.constant 0 : i32
      %dma_start3A_566 = arith.constant 0 : i32
      %dma_start3A_567 = tpu.memref_slice %arg6[%dma_start3A_556, %dma_start3A_565, %dma_start3A_566] : memref<10x128x64xf32, #tpu.memory_space<vmem>> -> memref<1x128x64xf32, #tpu.memory_space<vmem>>
      %dma_start3A_568 = tpu.memref_squeeze %dma_start3A_567 : memref<1x128x64xf32, #tpu.memory_space<vmem>> -> memref<128x64xf32, #tpu.memory_space<vmem>>
      tpu.enqueue_dma source(%dma_start3A_568 : memref<128x64xf32, #tpu.memory_space<vmem>>) target(%dma_start3A_564 : memref<128x64xf32, #tpu.memory_space<hbm>>) target_semaphore(%arg26 : memref<!tpu.dma_semaphore, #tpu.memory_space<semaphore_mem>>)
      %add3A_569 = arith.constant 6 : i32
      %add3A_570 = arith.addi %add3A_541, %add3A_569 : i32
      %lt3A_571 = arith.constant 50 : i32
      %lt3A_572 = arith.cmpi slt, %add3A_570, %lt3A_571 : i32
      %convert_element_type3A_573 = arith.extui %lt3A_572 : i1 to i32
      %cond3A_574 = arith.constant 0 : i32
      %cond3A_575 = arith.cmpi ne, %convert_element_type3A_573, %cond3A_574 : i32
      scf.if %cond3A_575 {
        %ge3A = arith.constant 10 : i32
        %ge3A_576 = arith.cmpi sge, %add3A_570, %ge3A : i32
        %convert_element_type3A_577 = arith.extui %ge3A_576 : i1 to i32
        %cond3A_578 = arith.constant 0 : i32
        %cond3A_579 = arith.cmpi ne, %convert_element_type3A_577, %cond3A_578 : i32
        scf.if %cond3A_579 {
          %sub3A = arith.constant 10 : i32
          %sub3A_591 = arith.subi %add3A_570, %sub3A : i32
          %mul3A_592 = arith.constant 128 : i32
          %mul3A_593 = arith.muli %sub3A_591, %mul3A_592 : i32
          %add3A_594 = arith.addi %mul3A_2, %mul3A_593 : i32
          %dma_wait3A_595 = arith.constant 5 : i32
          %dma_wait3A_596 = arith.constant 0 : i32
          %dma_wait3A_597 = arith.constant 0 : i32
          %dma_wait3A_598 = tpu.memref_slice %arg6[%dma_wait3A_595, %dma_wait3A_596, %dma_wait3A_597] : memref<10x128x64xf32, #tpu.memory_space<vmem>> -> memref<1x128x64xf32, #tpu.memory_space<vmem>>
          %dma_wait3A_599 = tpu.memref_squeeze %dma_wait3A_598 : memref<1x128x64xf32, #tpu.memory_space<vmem>> -> memref<128x64xf32, #tpu.memory_space<vmem>>
          %dma_wait3A_600 = arith.constant 0 : i32
          %dma_wait3A_601 = tpu.memref_slice %arg4[%add3A_594, %dma_wait3A_600] : memref<204800x64xf32, #tpu.memory_space<hbm>> -> memref<128x64xf32, #tpu.memory_space<hbm>>
          %dma_wait3A_602 = arith.constant 0 : i32
          %dma_wait3A_603 = tpu.memref_slice %arg4[%add3A_594, %dma_wait3A_602] : memref<204800x64xf32, #tpu.memory_space<hbm>> -> memref<128x64xf32, #tpu.memory_space<hbm>>
          %dma_wait3A_604 = arith.constant 0 : i32
          %dma_wait3A_605 = arith.constant 0 : i32
          %dma_wait3A_606 = tpu.memref_slice %arg6[%dma_wait3A_595, %dma_wait3A_604, %dma_wait3A_605] : memref<10x128x64xf32, #tpu.memory_space<vmem>> -> memref<1x128x64xf32, #tpu.memory_space<vmem>>
          %dma_wait3A_607 = tpu.memref_squeeze %dma_wait3A_606 : memref<1x128x64xf32, #tpu.memory_space<vmem>> -> memref<128x64xf32, #tpu.memory_space<vmem>>
          tpu.wait_dma2 semaphore(%arg22 : memref<!tpu.dma_semaphore, #tpu.memory_space<semaphore_mem>>) src(%dma_wait3A_607 : memref<128x64xf32, #tpu.memory_space<vmem>>) dst(%dma_wait3A_603 : memref<128x64xf32, #tpu.memory_space<hbm>>)
        } else {
        }
        %mul3A_580 = arith.constant 128 : i32
        %mul3A_581 = arith.muli %add3A_570, %mul3A_580 : i32
        %dma_start3A_582 = arith.constant 5 : i32
        %dma_start3A_583 = arith.constant 0 : i32
        %dma_start3A_584 = arith.constant 0 : i32
        %dma_start3A_585 = tpu.memref_slice %arg6[%dma_start3A_582, %dma_start3A_583, %dma_start3A_584] : memref<10x128x64xf32, #tpu.memory_space<vmem>> -> memref<1x128x64xf32, #tpu.memory_space<vmem>>
        %dma_start3A_586 = tpu.memref_squeeze %dma_start3A_585 : memref<1x128x64xf32, #tpu.memory_space<vmem>> -> memref<128x64xf32, #tpu.memory_space<vmem>>
        %dma_start3A_587 = tpu.memref_slice %arg5[%mul3A_581] : memref<6400xi32, #tpu.memory_space<vmem>> -> memref<128xi32, #tpu.memory_space<vmem>>
        %dma_start3A_588 = arith.constant 0 : i32
        %dma_start3A_589 = arith.constant 0 : i32
        %dma_start3A_590 = tpu.memref_slice %arg3[%dma_start3A_588, %dma_start3A_589] : memref<100000x64xf32, #tpu.memory_space<hbm>> -> memref<100000x64xf32, #tpu.memory_space<hbm>>
        tpu.enqueue_indirect_dma source(%dma_start3A_590 : memref<100000x64xf32, #tpu.memory_space<hbm>>) target(%dma_start3A_586 : memref<128x64xf32, #tpu.memory_space<vmem>>) offsets(%dma_start3A_587 : memref<128xi32, #tpu.memory_space<vmem>>) semaphore(%arg12 : memref<!tpu.dma_semaphore, #tpu.memory_space<semaphore_mem>>)
      } else {
      }
    }
    %scan3A_66 = arith.constant 5 : i32
    %add3A_67 = arith.constant 5120 : i32
    %add3A_68 = arith.addi %mul3A_2, %add3A_67 : i32
    %dma_wait3A = arith.constant 0 : i32
    %dma_wait3A_69 = arith.constant 0 : i32
    %dma_wait3A_70 = arith.constant 0 : i32
    %dma_wait3A_71 = tpu.memref_slice %arg6[%dma_wait3A, %dma_wait3A_69, %dma_wait3A_70] : memref<10x128x64xf32, #tpu.memory_space<vmem>> -> memref<1x128x64xf32, #tpu.memory_space<vmem>>
    %dma_wait3A_72 = tpu.memref_squeeze %dma_wait3A_71 : memref<1x128x64xf32, #tpu.memory_space<vmem>> -> memref<128x64xf32, #tpu.memory_space<vmem>>
    %dma_wait3A_73 = arith.constant 0 : i32
    %dma_wait3A_74 = tpu.memref_slice %arg4[%add3A_68, %dma_wait3A_73] : memref<204800x64xf32, #tpu.memory_space<hbm>> -> memref<128x64xf32, #tpu.memory_space<hbm>>
    %dma_wait3A_75 = arith.constant 0 : i32
    %dma_wait3A_76 = tpu.memref_slice %arg4[%add3A_68, %dma_wait3A_75] : memref<204800x64xf32, #tpu.memory_space<hbm>> -> memref<128x64xf32, #tpu.memory_space<hbm>>
    %dma_wait3A_77 = arith.constant 0 : i32
    %dma_wait3A_78 = arith.constant 0 : i32
    %dma_wait3A_79 = tpu.memref_slice %arg6[%dma_wait3A, %dma_wait3A_77, %dma_wait3A_78] : memref<10x128x64xf32, #tpu.memory_space<vmem>> -> memref<1x128x64xf32, #tpu.memory_space<vmem>>
    %dma_wait3A_80 = tpu.memref_squeeze %dma_wait3A_79 : memref<1x128x64xf32, #tpu.memory_space<vmem>> -> memref<128x64xf32, #tpu.memory_space<vmem>>
    tpu.wait_dma2 semaphore(%arg17 : memref<!tpu.dma_semaphore, #tpu.memory_space<semaphore_mem>>) src(%dma_wait3A_80 : memref<128x64xf32, #tpu.memory_space<vmem>>) dst(%dma_wait3A_76 : memref<128x64xf32, #tpu.memory_space<hbm>>)
    %add3A_81 = arith.constant 5248 : i32
    %add3A_82 = arith.addi %mul3A_2, %add3A_81 : i32
    %dma_wait3A_83 = arith.constant 1 : i32
    %dma_wait3A_84 = arith.constant 0 : i32
    %dma_wait3A_85 = arith.constant 0 : i32
    %dma_wait3A_86 = tpu.memref_slice %arg6[%dma_wait3A_83, %dma_wait3A_84, %dma_wait3A_85] : memref<10x128x64xf32, #tpu.memory_space<vmem>> -> memref<1x128x64xf32, #tpu.memory_space<vmem>>
    %dma_wait3A_87 = tpu.memref_squeeze %dma_wait3A_86 : memref<1x128x64xf32, #tpu.memory_space<vmem>> -> memref<128x64xf32, #tpu.memory_space<vmem>>
    %dma_wait3A_88 = arith.constant 0 : i32
    %dma_wait3A_89 = tpu.memref_slice %arg4[%add3A_82, %dma_wait3A_88] : memref<204800x64xf32, #tpu.memory_space<hbm>> -> memref<128x64xf32, #tpu.memory_space<hbm>>
    %dma_wait3A_90 = arith.constant 0 : i32
    %dma_wait3A_91 = tpu.memref_slice %arg4[%add3A_82, %dma_wait3A_90] : memref<204800x64xf32, #tpu.memory_space<hbm>> -> memref<128x64xf32, #tpu.memory_space<hbm>>
    %dma_wait3A_92 = arith.constant 0 : i32
    %dma_wait3A_93 = arith.constant 0 : i32
    %dma_wait3A_94 = tpu.memref_slice %arg6[%dma_wait3A_83, %dma_wait3A_92, %dma_wait3A_93] : memref<10x128x64xf32, #tpu.memory_space<vmem>> -> memref<1x128x64xf32, #tpu.memory_space<vmem>>
    %dma_wait3A_95 = tpu.memref_squeeze %dma_wait3A_94 : memref<1x128x64xf32, #tpu.memory_space<vmem>> -> memref<128x64xf32, #tpu.memory_space<vmem>>
    tpu.wait_dma2 semaphore(%arg18 : memref<!tpu.dma_semaphore, #tpu.memory_space<semaphore_mem>>) src(%dma_wait3A_95 : memref<128x64xf32, #tpu.memory_space<vmem>>) dst(%dma_wait3A_91 : memref<128x64xf32, #tpu.memory_space<hbm>>)
    %add3A_96 = arith.constant 5376 : i32
    %add3A_97 = arith.addi %mul3A_2, %add3A_96 : i32
    %dma_wait3A_98 = arith.constant 2 : i32
    %dma_wait3A_99 = arith.constant 0 : i32
    %dma_wait3A_100 = arith.constant 0 : i32
    %dma_wait3A_101 = tpu.memref_slice %arg6[%dma_wait3A_98, %dma_wait3A_99, %dma_wait3A_100] : memref<10x128x64xf32, #tpu.memory_space<vmem>> -> memref<1x128x64xf32, #tpu.memory_space<vmem>>
    %dma_wait3A_102 = tpu.memref_squeeze %dma_wait3A_101 : memref<1x128x64xf32, #tpu.memory_space<vmem>> -> memref<128x64xf32, #tpu.memory_space<vmem>>
    %dma_wait3A_103 = arith.constant 0 : i32
    %dma_wait3A_104 = tpu.memref_slice %arg4[%add3A_97, %dma_wait3A_103] : memref<204800x64xf32, #tpu.memory_space<hbm>> -> memref<128x64xf32, #tpu.memory_space<hbm>>
    %dma_wait3A_105 = arith.constant 0 : i32
    %dma_wait3A_106 = tpu.memref_slice %arg4[%add3A_97, %dma_wait3A_105] : memref<204800x64xf32, #tpu.memory_space<hbm>> -> memref<128x64xf32, #tpu.memory_space<hbm>>
    %dma_wait3A_107 = arith.constant 0 : i32
    %dma_wait3A_108 = arith.constant 0 : i32
    %dma_wait3A_109 = tpu.memref_slice %arg6[%dma_wait3A_98, %dma_wait3A_107, %dma_wait3A_108] : memref<10x128x64xf32, #tpu.memory_space<vmem>> -> memref<1x128x64xf32, #tpu.memory_space<vmem>>
    %dma_wait3A_110 = tpu.memref_squeeze %dma_wait3A_109 : memref<1x128x64xf32, #tpu.memory_space<vmem>> -> memref<128x64xf32, #tpu.memory_space<vmem>>
    tpu.wait_dma2 semaphore(%arg19 : memref<!tpu.dma_semaphore, #tpu.memory_space<semaphore_mem>>) src(%dma_wait3A_110 : memref<128x64xf32, #tpu.memory_space<vmem>>) dst(%dma_wait3A_106 : memref<128x64xf32, #tpu.memory_space<hbm>>)
    %add3A_111 = arith.constant 5504 : i32
    %add3A_112 = arith.addi %mul3A_2, %add3A_111 : i32
    %dma_wait3A_113 = arith.constant 3 : i32
    %dma_wait3A_114 = arith.constant 0 : i32
    %dma_wait3A_115 = arith.constant 0 : i32
    %dma_wait3A_116 = tpu.memref_slice %arg6[%dma_wait3A_113, %dma_wait3A_114, %dma_wait3A_115] : memref<10x128x64xf32, #tpu.memory_space<vmem>> -> memref<1x128x64xf32, #tpu.memory_space<vmem>>
    %dma_wait3A_117 = tpu.memref_squeeze %dma_wait3A_116 : memref<1x128x64xf32, #tpu.memory_space<vmem>> -> memref<128x64xf32, #tpu.memory_space<vmem>>
    %dma_wait3A_118 = arith.constant 0 : i32
    %dma_wait3A_119 = tpu.memref_slice %arg4[%add3A_112, %dma_wait3A_118] : memref<204800x64xf32, #tpu.memory_space<hbm>> -> memref<128x64xf32, #tpu.memory_space<hbm>>
    %dma_wait3A_120 = arith.constant 0 : i32
    %dma_wait3A_121 = tpu.memref_slice %arg4[%add3A_112, %dma_wait3A_120] : memref<204800x64xf32, #tpu.memory_space<hbm>> -> memref<128x64xf32, #tpu.memory_space<hbm>>
    %dma_wait3A_122 = arith.constant 0 : i32
    %dma_wait3A_123 = arith.constant 0 : i32
    %dma_wait3A_124 = tpu.memref_slice %arg6[%dma_wait3A_113, %dma_wait3A_122, %dma_wait3A_123] : memref<10x128x64xf32, #tpu.memory_space<vmem>> -> memref<1x128x64xf32, #tpu.memory_space<vmem>>
    %dma_wait3A_125 = tpu.memref_squeeze %dma_wait3A_124 : memref<1x128x64xf32, #tpu.memory_space<vmem>> -> memref<128x64xf32, #tpu.memory_space<vmem>>
    tpu.wait_dma2 semaphore(%arg20 : memref<!tpu.dma_semaphore, #tpu.memory_space<semaphore_mem>>) src(%dma_wait3A_125 : memref<128x64xf32, #tpu.memory_space<vmem>>) dst(%dma_wait3A_121 : memref<128x64xf32, #tpu.memory_space<hbm>>)
    %add3A_126 = arith.constant 5632 : i32
    %add3A_127 = arith.addi %mul3A_2, %add3A_126 : i32
    %dma_wait3A_128 = arith.constant 4 : i32
    %dma_wait3A_129 = arith.constant 0 : i32
    %dma_wait3A_130 = arith.constant 0 : i32
    %dma_wait3A_131 = tpu.memref_slice %arg6[%dma_wait3A_128, %dma_wait3A_129, %dma_wait3A_130] : memref<10x128x64xf32, #tpu.memory_space<vmem>> -> memref<1x128x64xf32, #tpu.memory_space<vmem>>
    %dma_wait3A_132 = tpu.memref_squeeze %dma_wait3A_131 : memref<1x128x64xf32, #tpu.memory_space<vmem>> -> memref<128x64xf32, #tpu.memory_space<vmem>>
    %dma_wait3A_133 = arith.constant 0 : i32
    %dma_wait3A_134 = tpu.memref_slice %arg4[%add3A_127, %dma_wait3A_133] : memref<204800x64xf32, #tpu.memory_space<hbm>> -> memref<128x64xf32, #tpu.memory_space<hbm>>
    %dma_wait3A_135 = arith.constant 0 : i32
    %dma_wait3A_136 = tpu.memref_slice %arg4[%add3A_127, %dma_wait3A_135] : memref<204800x64xf32, #tpu.memory_space<hbm>> -> memref<128x64xf32, #tpu.memory_space<hbm>>
    %dma_wait3A_137 = arith.constant 0 : i32
    %dma_wait3A_138 = arith.constant 0 : i32
    %dma_wait3A_139 = tpu.memref_slice %arg6[%dma_wait3A_128, %dma_wait3A_137, %dma_wait3A_138] : memref<10x128x64xf32, #tpu.memory_space<vmem>> -> memref<1x128x64xf32, #tpu.memory_space<vmem>>
    %dma_wait3A_140 = tpu.memref_squeeze %dma_wait3A_139 : memref<1x128x64xf32, #tpu.memory_space<vmem>> -> memref<128x64xf32, #tpu.memory_space<vmem>>
    tpu.wait_dma2 semaphore(%arg21 : memref<!tpu.dma_semaphore, #tpu.memory_space<semaphore_mem>>) src(%dma_wait3A_140 : memref<128x64xf32, #tpu.memory_space<vmem>>) dst(%dma_wait3A_136 : memref<128x64xf32, #tpu.memory_space<hbm>>)
    %add3A_141 = arith.constant 5760 : i32
    %add3A_142 = arith.addi %mul3A_2, %add3A_141 : i32
    %dma_wait3A_143 = arith.constant 5 : i32
    %dma_wait3A_144 = arith.constant 0 : i32
    %dma_wait3A_145 = arith.constant 0 : i32
    %dma_wait3A_146 = tpu.memref_slice %arg6[%dma_wait3A_143, %dma_wait3A_144, %dma_wait3A_145] : memref<10x128x64xf32, #tpu.memory_space<vmem>> -> memref<1x128x64xf32, #tpu.memory_space<vmem>>
    %dma_wait3A_147 = tpu.memref_squeeze %dma_wait3A_146 : memref<1x128x64xf32, #tpu.memory_space<vmem>> -> memref<128x64xf32, #tpu.memory_space<vmem>>
    %dma_wait3A_148 = arith.constant 0 : i32
    %dma_wait3A_149 = tpu.memref_slice %arg4[%add3A_142, %dma_wait3A_148] : memref<204800x64xf32, #tpu.memory_space<hbm>> -> memref<128x64xf32, #tpu.memory_space<hbm>>
    %dma_wait3A_150 = arith.constant 0 : i32
    %dma_wait3A_151 = tpu.memref_slice %arg4[%add3A_142, %dma_wait3A_150] : memref<204800x64xf32, #tpu.memory_space<hbm>> -> memref<128x64xf32, #tpu.memory_space<hbm>>
    %dma_wait3A_152 = arith.constant 0 : i32
    %dma_wait3A_153 = arith.constant 0 : i32
    %dma_wait3A_154 = tpu.memref_slice %arg6[%dma_wait3A_143, %dma_wait3A_152, %dma_wait3A_153] : memref<10x128x64xf32, #tpu.memory_space<vmem>> -> memref<1x128x64xf32, #tpu.memory_space<vmem>>
    %dma_wait3A_155 = tpu.memref_squeeze %dma_wait3A_154 : memref<1x128x64xf32, #tpu.memory_space<vmem>> -> memref<128x64xf32, #tpu.memory_space<vmem>>
    tpu.wait_dma2 semaphore(%arg22 : memref<!tpu.dma_semaphore, #tpu.memory_space<semaphore_mem>>) src(%dma_wait3A_155 : memref<128x64xf32, #tpu.memory_space<vmem>>) dst(%dma_wait3A_151 : memref<128x64xf32, #tpu.memory_space<hbm>>)
    %add3A_156 = arith.constant 5888 : i32
    %add3A_157 = arith.addi %mul3A_2, %add3A_156 : i32
    %dma_wait3A_158 = arith.constant 6 : i32
    %dma_wait3A_159 = arith.constant 0 : i32
    %dma_wait3A_160 = arith.constant 0 : i32
    %dma_wait3A_161 = tpu.memref_slice %arg6[%dma_wait3A_158, %dma_wait3A_159, %dma_wait3A_160] : memref<10x128x64xf32, #tpu.memory_space<vmem>> -> memref<1x128x64xf32, #tpu.memory_space<vmem>>
    %dma_wait3A_162 = tpu.memref_squeeze %dma_wait3A_161 : memref<1x128x64xf32, #tpu.memory_space<vmem>> -> memref<128x64xf32, #tpu.memory_space<vmem>>
    %dma_wait3A_163 = arith.constant 0 : i32
    %dma_wait3A_164 = tpu.memref_slice %arg4[%add3A_157, %dma_wait3A_163] : memref<204800x64xf32, #tpu.memory_space<hbm>> -> memref<128x64xf32, #tpu.memory_space<hbm>>
    %dma_wait3A_165 = arith.constant 0 : i32
    %dma_wait3A_166 = tpu.memref_slice %arg4[%add3A_157, %dma_wait3A_165] : memref<204800x64xf32, #tpu.memory_space<hbm>> -> memref<128x64xf32, #tpu.memory_space<hbm>>
    %dma_wait3A_167 = arith.constant 0 : i32
    %dma_wait3A_168 = arith.constant 0 : i32
    %dma_wait3A_169 = tpu.memref_slice %arg6[%dma_wait3A_158, %dma_wait3A_167, %dma_wait3A_168] : memref<10x128x64xf32, #tpu.memory_space<vmem>> -> memref<1x128x64xf32, #tpu.memory_space<vmem>>
    %dma_wait3A_170 = tpu.memref_squeeze %dma_wait3A_169 : memref<1x128x64xf32, #tpu.memory_space<vmem>> -> memref<128x64xf32, #tpu.memory_space<vmem>>
    tpu.wait_dma2 semaphore(%arg23 : memref<!tpu.dma_semaphore, #tpu.memory_space<semaphore_mem>>) src(%dma_wait3A_170 : memref<128x64xf32, #tpu.memory_space<vmem>>) dst(%dma_wait3A_166 : memref<128x64xf32, #tpu.memory_space<hbm>>)
    %add3A_171 = arith.constant 6016 : i32
    %add3A_172 = arith.addi %mul3A_2, %add3A_171 : i32
    %dma_wait3A_173 = arith.constant 7 : i32
    %dma_wait3A_174 = arith.constant 0 : i32
    %dma_wait3A_175 = arith.constant 0 : i32
    %dma_wait3A_176 = tpu.memref_slice %arg6[%dma_wait3A_173, %dma_wait3A_174, %dma_wait3A_175] : memref<10x128x64xf32, #tpu.memory_space<vmem>> -> memref<1x128x64xf32, #tpu.memory_space<vmem>>
    %dma_wait3A_177 = tpu.memref_squeeze %dma_wait3A_176 : memref<1x128x64xf32, #tpu.memory_space<vmem>> -> memref<128x64xf32, #tpu.memory_space<vmem>>
    %dma_wait3A_178 = arith.constant 0 : i32
    %dma_wait3A_179 = tpu.memref_slice %arg4[%add3A_172, %dma_wait3A_178] : memref<204800x64xf32, #tpu.memory_space<hbm>> -> memref<128x64xf32, #tpu.memory_space<hbm>>
    %dma_wait3A_180 = arith.constant 0 : i32
    %dma_wait3A_181 = tpu.memref_slice %arg4[%add3A_172, %dma_wait3A_180] : memref<204800x64xf32, #tpu.memory_space<hbm>> -> memref<128x64xf32, #tpu.memory_space<hbm>>
    %dma_wait3A_182 = arith.constant 0 : i32
    %dma_wait3A_183 = arith.constant 0 : i32
    %dma_wait3A_184 = tpu.memref_slice %arg6[%dma_wait3A_173, %dma_wait3A_182, %dma_wait3A_183] : memref<10x128x64xf32, #tpu.memory_space<vmem>> -> memref<1x128x64xf32, #tpu.memory_space<vmem>>
    %dma_wait3A_185 = tpu.memref_squeeze %dma_wait3A_184 : memref<1x128x64xf32, #tpu.memory_space<vmem>> -> memref<128x64xf32, #tpu.memory_space<vmem>>
    tpu.wait_dma2 semaphore(%arg24 : memref<!tpu.dma_semaphore, #tpu.memory_space<semaphore_mem>>) src(%dma_wait3A_185 : memref<128x64xf32, #tpu.memory_space<vmem>>) dst(%dma_wait3A_181 : memref<128x64xf32, #tpu.memory_space<hbm>>)
    %add3A_186 = arith.constant 6144 : i32
    %add3A_187 = arith.addi %mul3A_2, %add3A_186 : i32
    %dma_wait3A_188 = arith.constant 8 : i32
    %dma_wait3A_189 = arith.constant 0 : i32
    %dma_wait3A_190 = arith.constant 0 : i32
    %dma_wait3A_191 = tpu.memref_slice %arg6[%dma_wait3A_188, %dma_wait3A_189, %dma_wait3A_190] : memref<10x128x64xf32, #tpu.memory_space<vmem>> -> memref<1x128x64xf32, #tpu.memory_space<vmem>>
    %dma_wait3A_192 = tpu.memref_squeeze %dma_wait3A_191 : memref<1x128x64xf32, #tpu.memory_space<vmem>> -> memref<128x64xf32, #tpu.memory_space<vmem>>
    %dma_wait3A_193 = arith.constant 0 : i32
    %dma_wait3A_194 = tpu.memref_slice %arg4[%add3A_187, %dma_wait3A_193] : memref<204800x64xf32, #tpu.memory_space<hbm>> -> memref<128x64xf32, #tpu.memory_space<hbm>>
    %dma_wait3A_195 = arith.constant 0 : i32
    %dma_wait3A_196 = tpu.memref_slice %arg4[%add3A_187, %dma_wait3A_195] : memref<204800x64xf32, #tpu.memory_space<hbm>> -> memref<128x64xf32, #tpu.memory_space<hbm>>
    %dma_wait3A_197 = arith.constant 0 : i32
    %dma_wait3A_198 = arith.constant 0 : i32
    %dma_wait3A_199 = tpu.memref_slice %arg6[%dma_wait3A_188, %dma_wait3A_197, %dma_wait3A_198] : memref<10x128x64xf32, #tpu.memory_space<vmem>> -> memref<1x128x64xf32, #tpu.memory_space<vmem>>
    %dma_wait3A_200 = tpu.memref_squeeze %dma_wait3A_199 : memref<1x128x64xf32, #tpu.memory_space<vmem>> -> memref<128x64xf32, #tpu.memory_space<vmem>>
    tpu.wait_dma2 semaphore(%arg25 : memref<!tpu.dma_semaphore, #tpu.memory_space<semaphore_mem>>) src(%dma_wait3A_200 : memref<128x64xf32, #tpu.memory_space<vmem>>) dst(%dma_wait3A_196 : memref<128x64xf32, #tpu.memory_space<hbm>>)
    %add3A_201 = arith.constant 6272 : i32
    %add3A_202 = arith.addi %mul3A_2, %add3A_201 : i32
    %dma_wait3A_203 = arith.constant 9 : i32
    %dma_wait3A_204 = arith.constant 0 : i32
    %dma_wait3A_205 = arith.constant 0 : i32
    %dma_wait3A_206 = tpu.memref_slice %arg6[%dma_wait3A_203, %dma_wait3A_204, %dma_wait3A_205] : memref<10x128x64xf32, #tpu.memory_space<vmem>> -> memref<1x128x64xf32, #tpu.memory_space<vmem>>
    %dma_wait3A_207 = tpu.memref_squeeze %dma_wait3A_206 : memref<1x128x64xf32, #tpu.memory_space<vmem>> -> memref<128x64xf32, #tpu.memory_space<vmem>>
    %dma_wait3A_208 = arith.constant 0 : i32
    %dma_wait3A_209 = tpu.memref_slice %arg4[%add3A_202, %dma_wait3A_208] : memref<204800x64xf32, #tpu.memory_space<hbm>> -> memref<128x64xf32, #tpu.memory_space<hbm>>
    %dma_wait3A_210 = arith.constant 0 : i32
    %dma_wait3A_211 = tpu.memref_slice %arg4[%add3A_202, %dma_wait3A_210] : memref<204800x64xf32, #tpu.memory_space<hbm>> -> memref<128x64xf32, #tpu.memory_space<hbm>>
    %dma_wait3A_212 = arith.constant 0 : i32
    %dma_wait3A_213 = arith.constant 0 : i32
    %dma_wait3A_214 = tpu.memref_slice %arg6[%dma_wait3A_203, %dma_wait3A_212, %dma_wait3A_213] : memref<10x128x64xf32, #tpu.memory_space<vmem>> -> memref<1x128x64xf32, #tpu.memory_space<vmem>>
    %dma_wait3A_215 = tpu.memref_squeeze %dma_wait3A_214 : memref<1x128x64xf32, #tpu.memory_space<vmem>> -> memref<128x64xf32, #tpu.memory_space<vmem>>
    tpu.wait_dma2 semaphore(%arg26 : memref<!tpu.dma_semaphore, #tpu.memory_space<semaphore_mem>>) src(%dma_wait3A_215 : memref<128x64xf32, #tpu.memory_space<vmem>>) dst(%dma_wait3A_211 : memref<128x64xf32, #tpu.memory_space<hbm>>)
    return
  }
}

</mosaic_0001>

<sc_bundles>
// kernel: kernel.3.cloned.1.call-start
scs
__scs_entry_jumppad:
0x0: {  	(pc) =	sbr.rel $0x88, $3  }
0x1: {  	(tag) =	ssettag $0x0;
	lr =	simm.s32 $0x1  }
0x2: {  	[smem:$0x3F9F] =	sst lr;
	_ =	strace $0xD0000000  }
0x3: {  	_ = 	snop  }
0x4: {  	_ = 	snop  }
0x5: {  	_ = 	snop  }
0x6: {  	_ = 	snop  }
0x7: {  	_ = 	snop  }
__scs_overlays_trampoline_lowered:
0x8: {  	[smem:$0x3FAE] =	sst s0  }
0x9: {  	[smem:$0x3FAF] =	sst s1  }
0xa: {  	[smem:$0x3FB0] =	sst s2  }
0xb: {  	[smem:$0x3FB1] =	sst s3  }
0xc: {  	[smem:$0x3FB2] =	sst s4  }
0xd: {  	[smem:$0x3FB3] =	sst s5  }
0xe: {  	[smem:$0x3FB4] =	sst s6  }
0xf: {  	[smem:$0x3FB5] =	sst s7  }
0x10: {  	[smem:$0x3FB6] =	sst s8  }
0x11: {  	[smem:$0x3FB7] =	sst s9;
	s0 =	simm.s32 @!p0 $0x0  }
0x12: {  	s1 =	sld [smem:$0x3F9D];
	s0 =	simm.s32 @p0 $0x1  }
0x13: {  	[smem:$0x3FB8] =	sst s0;
	s0 =	simm.s32 @!p1 $0x0  }
0x14: {  	s2 =	sld [smem:$0x3F9C];
	s0 =	simm.s32 @p1 $0x1  }
0x15: {  	[smem:$0x3FB9] =	sst s0;
	s0 =	simm.s32 @!p2 $0x0  }
0x16: {  	s3 =	sld [smem:$0x3FDB];
	s0 =	simm.s32 @p2 $0x1  }
0x17: {  	s4 =	simm.s32 $0x1BF5;
	[smem:$0x3FBB] =	sst s0  }
0x18: {  	s0 =	sld [smem:$0x3F9E];
	_ =	swait.ge [sflag:s4], $0x0  }
0x19: {  	s7 =	sld [smem:$0x3F9F]  }
0x1a: {  	s8 =	sadd.s32 $0xFFFFE003, lr  }
0x1b: {  	s9 =	sadd.s32 $0xFFFFFEF7, lr;
	s5 =	simm.s32 $0xFFFFFFFF;
	p2 =	slt.u32 s8, $0xFFFFF086  }
0x1c: {  	p1 =	slt.u32 s9, $0xF7A;
	s5 =	simm.s32 @!p2 $0x0  }
0x1d: {  	s5 =	simm.s32 @p1 $0x1;
	p0 =	seq.s32 s7, s2  }
0x1e: {  	s7 =	smul.u32 @!p0 $0xF7A, s2;
	p2 =	seq.s32 @!p0 s5, $0x0  }
0x1f: {  	s9 =	smul.u32 $0xF7A, s1;
	s8 =	simm.s32 @!p0 $0x1BF5;
	p2 =	por !p2, p0  }
0x20: {  	[sflag:s8] =	ssyncset.s32 @!p0 $0xFFFFF086;
	s6 =	sadd.s32 @!p0 s3, s7;
	s7 =	simm.s32 @!p0 $0x108  }
0x21: {  	s3 =	sadd.s32 s3, s9;
	s6 =	sadd.s32 @!p0 $0x88, s6;
	s7 =	simm.s32 @p2 $0x1082  }
0x22: {  	[simem:s7], [sflag:s8] =	dma.local @!p0 [hbm:s6], $0xF7A  }
0x23: {  	s9 =	sor.u32 $0xD0000000, s2;
	s6 =	simm.s32 $0x108;
	_ =	swait.ge @!p0 [sflag:s8], $0x0  }
0x24: {  	s3 =	sadd.s32 $0x88, s3;
	s6 =	simm.s32 @!p1 $0x1082;
	[sflag:s4] =	ssyncset.s32 $0xFFFFF086  }
0x25: {  	[simem:s6], [sflag:s4] =	dma.local [hbm:s3], $0xF7A  }
0x26: {  	[smem:$0x3F9F] =	sst s1;
	(tag) =	ssettag s2;
	_ =	strace s9  }
0x27: {  	s1 =	sld [smem:$0x3FAF]  }
0x28: {  	s2 =	sld [smem:$0x3FB0]  }
0x29: {  	s4 =	sld [smem:$0x3FB2]  }
0x2a: {  	p0 =	seq.s32 s5, $0x0;
	s5 =	sld [smem:$0x3FB3]  }
0x2b: {  	s6 =	sld [smem:$0x3FB4]  }
0x2c: {  	s7 =	sld [smem:$0x3FB5]  }
0x2d: {  	s3 =	simm.s32 $0x108;
	s8 =	sld [smem:$0x3FB6]  }
0x2e: {  	s3 =	simm.s32 @!p0 $0x1082;
	s9 =	sld [smem:$0x3FB7]  }
0x2f: {  	lr =	sadd.s32 s0, s3;
	s0 =	sld [smem:$0x3FAE]  }
0x30: {  	s3 =	sld [smem:$0x3FB1]  }
0x31: {  	[smem:$0x3FBA] =	sst s10  }
0x32: {  	s10 =	sld [smem:$0x3FB8];
	_ =	sdelay $0x3  }
0x33: {  	p0 =	seq.s32 s10, $0x1;
	s10 =	sld [smem:$0x3FBA];
	_ =	sdelay $0x3  }
0x34: {  	[smem:$0x3FBA] =	sst s10  }
0x35: {  	s10 =	sld [smem:$0x3FB9];
	_ =	sdelay $0x3  }
0x36: {  	p1 =	seq.s32 s10, $0x1;
	s10 =	sld [smem:$0x3FBA];
	_ =	sdelay $0x3  }
0x37: {  	[smem:$0x3FBA] =	sst s10  }
0x38: {  	s10 =	sld [smem:$0x3FBB]  }
0x39: {  	_ = 	snop;
	(pc) =	sbr.ind lr, $3  }
0x3a: {  	_ = 	snop  }
0x3b: {  	_ = 	snop  }
0x3c: {  	p2 =	seq.s32 s10, $0x1;
	s10 =	sld [smem:$0x3FBA]  }
0x3d: {  	_ =	shalt  }
0x3e: {  	_ =	shalt  }
0x3f: {  	_ =	shalt  }
0x40: {  	_ =	shalt  }
0x41: {  	_ =	shalt  }
0x42: {  	_ =	shalt  }
0x43: {  	_ =	shalt  }
0x44: {  	_ =	shalt  }
0x45: {  	_ =	shalt  }
0x46: {  	_ =	shalt  }
0x47: {  	_ =	shalt  }
0x48: {  	_ =	shalt  }
0x49: {  	_ =	shalt  }
0x4a: {  	_ =	shalt  }
0x4b: {  	_ =	shalt  }
0x4c: {  	_ =	shalt  }
0x4d: {  	_ =	shalt  }
0x4e: {  	_ =	shalt  }
0x4f: {  	_ =	shalt  }
0x50: {  	_ =	shalt  }
0x51: {  	_ =	shalt  }
0x52: {  	_ =	shalt  }
0x53: {  	_ =	shalt  }
0x54: {  	_ =	shalt  }
0x55: {  	_ =	shalt  }
0x56: {  	_ =	shalt  }
0x57: {  	_ =	shalt  }
0x58: {  	_ =	shalt  }
0x59: {  	_ =	shalt  }
0x5a: {  	_ =	shalt  }
0x5b: {  	_ =	shalt  }
0x5c: {  	_ =	shalt  }
0x5d: {  	_ =	shalt  }
0x5e: {  	_ =	shalt  }
0x5f: {  	_ =	shalt  }
0x60: {  	_ =	shalt  }
0x61: {  	_ =	shalt  }
0x62: {  	_ =	shalt  }
0x63: {  	_ =	shalt  }
0x64: {  	_ =	shalt  }
0x65: {  	_ =	shalt  }
0x66: {  	_ =	shalt  }
0x67: {  	_ =	shalt  }
0x68: {  	_ =	shalt  }
0x69: {  	_ =	shalt  }
0x6a: {  	_ =	shalt  }
0x6b: {  	_ =	shalt  }
0x6c: {  	_ =	shalt  }
0x6d: {  	_ =	shalt  }
0x6e: {  	_ =	shalt  }
0x6f: {  	_ =	shalt  }
0x70: {  	_ =	shalt  }
0x71: {  	_ =	shalt  }
0x72: {  	_ =	shalt  }
0x73: {  	_ =	shalt  }
0x74: {  	_ =	shalt  }
0x75: {  	_ =	shalt  }
0x76: {  	_ =	shalt  }
0x77: {  	_ =	shalt  }
0x78: {  	_ =	shalt  }
0x79: {  	_ =	shalt  }
0x7a: {  	_ =	shalt  }
0x7b: {  	_ =	shalt  }
0x7c: {  	_ =	shalt  }
0x7d: {  	_ =	shalt  }
0x7e: {  	_ =	shalt  }
0x7f: {  	_ =	shalt  }
0x80: {  	_ =	shalt  }
0x81: {  	_ =	shalt  }
0x82: {  	_ =	shalt  }
0x83: {  	_ =	shalt  }
0x84: {  	_ =	shalt  }
0x85: {  	_ =	shalt  }
0x86: {  	_ =	shalt  }
0x87: {  	_ =	shalt  }
.Lfunc_end0:
.L_simem_size_0:
called_computation.1_lowered:
.L_overlay_start_0:
0x88: {  	s2 =	sld [smem:$0x3FD9]  }
0x89: {  	s3 =	sld [smem:$0x3FFE];
	_ =	sdelay $0x1  }
0x8a: {  	s1 =	srdreg.scid  }
0x8b: {  	s0 =	sand.u32 $0x1, s1  }
0x8c: {  	s17 =	sshll.u32 s0, $0xA;
	s2 =	sadd.s32 s3, s2  }
0x8d: {  	s2 =	sadd.s32 s2, s17  }
0x8e: {  	[smem:$0x3FC6] =	sst s2  }
0x8f: {  	_ = 	snop  }
0x90: {  	s2 =	sld [smem:$0x3FD0];
	(tm) =	ssettm $0x1  }
0x91: {  	s18 =	sld [smem:$0x3FFB];
	_ =	sdelay $0x3  }
0x92: {  	_ =	strace s18  }
0x93: {  	s3 =	sld [smem:$0x3FFC];
	_ =	sdelay $0x3  }
0x94: {  	_ =	strace s3  }
0x95: {  	s3 =	sld [smem:$0x3FFD];
	_ =	sdelay $0x3  }
0x96: {  	_ =	strace s3  }
0x97: {  	_ =	strace $0x8FFFFFFF  }
0x98: {  	s19 =	sld [smem:$0x3FDB];
	_ =	sdelay $0x1  }
0x99: {  	s4 =	simm.s32 $_scs_section_size  }
0x9a: {  	s5 =	simm.s32 $_size__tile_overlayer_lowered;
	s6 =	simm.s32 $_tile_overlayer_lowered  }
0x9b: {  	s22 =	simm.s32 $0x1BFF;
	s21 =	sshll.u32 s6, $0x1;
	s3 =	sadd.s32 s4, s19  }
0x9c: {  	s7 =	simm.s32 $0x0;
	s20 =	sshll.u32 s5, $0x1;
	s5 =	sadd.s32 s21, s3  }
0x9d: {  	[timem:s7], [sflag:s22] =	dma.local [hbm:s5], s20  }
0x9e: {  	_ =	swait.ge [sflag:s22], s20  }
0x9f: {  	s4 =	ssub.s32 $0x0, s20;
	[sflag:s22] =	ssyncset.done $0x0  }
0xa0: {  	[sflag:s22] =	ssyncadd.s32 s4;
	_ =	sdelay $0x1  }
0xa1: {  	s23 =	simm.s32 $0x1B8B  }
0xa2: {  	_ =	swait.ge [sflag:s23], $0x1  }
0xa3: {  	[sflag:s23] =	ssyncset.done $0x0  }
0xa4: {  	s25 =	simm.s32 $0x1B8E;
	s24 =	sld [smem:$0x3FFE];
	[sflag:s23] =	ssyncadd.s32 $0xFFFFFFFF  }
0xa5: {  	s26 =	simm.s32 $execute0_lowered;
	[smem:$0x3FD2] =	sst s25  }
0xa6: {  	s5 =	sshll.u32 s26, $0x1;
	_ =	strace $0x80000046;
	[dreg:$0x1] =	wrdreg $0xFFFFFFFF  }
0xa7: {  	s28 =	simm.s32 $_size_execute0_lowered;
	s3 =	sadd.s32 s3, s5;
	[dreg:$0x0] =	wrdreg $0x0  }
0xa8: {  	s5 =	sshll.u32 s28, $0x1;
	[dreg:$0x2] =	wrdreg s3  }
0xa9: {  	[dreg:$0x3] =	wrdreg s5  }
0xaa: {  	[dreg:$0x4] =	wrdreg $0xC0  }
0xab: {  	_ =	task [dreg:s7], $0x5FFFF  }
0xac: {  	[dreg:$0x1] =	wrdreg $0xFFFFFFFF  }
0xad: {  	[dreg:$0x0] =	wrdreg $0x60  }
0xae: {  	[dreg:$0x2] =	wrdreg s24  }
0xaf: {  	[dreg:$0x3] =	wrdreg s2  }
0xb0: {  	[dreg:$0x4] =	wrdreg $0x9  }
0xb1: {  	_ =	task.clear_ibuf [dreg:s7], $0x5FFFF;
	_ =	strace $0x90000046  }
0xb2: {  	s29 =	simm.s32 $0x9;
	_ =	strace $0x80000048  }
0xb3: {  	_ =	swait.ge [sflag:s29], $0x1  }
0xb4: {  	[sflag:s29] =	ssyncadd.s32 $0xFFFFFFFF  }
0xb5: {  	_ =	strace $0x90000048  }
0xb6: {  	_ =	sfence  }
0xb7: {  	s30 =	sld [smem:$0x0];
	_ =	sdelay $0x2  }
0xb8: {  	s31 =	sshll.u32 s1, $0xD;
	s1 =	sshrl.u32 s1, $0x2  }
0xb9: {  	s3 =	sand.u32 $0x4000, s31;
	s1 =	sadd.s32 s1, s30  }
0xba: {  	s0 =	sor.u32 s3, s0;
	s1 =	sshll.u32 s1, $0x11  }
0xbb: {  	s0 =	sor.u32 s1, s0  }
0xbc: {  	s0 =	sadd.s32 $0x8F2B, s0  }
0xbd: {  	[sflag:s0] =	ssyncadd.remote.s32 $0x1  }
0xbe: {  	_ =	sfence.sel $0xFFFF  }
0xbf: {  	[dreg:$0x0] =	wrdreg $0xFFFFFFFF;
	(pc) =	sbr.abs _section_cstart, $3  }
0xc0: {  	[dreg:$0x1] =	wrdreg $0xFFFFFFFF  }
0xc1: {  	_ =	task.clear_ibuf [dreg:s7], $0x2FFFF;
	_ =	strace $0x9FFFFFFF  }
0xc2: {  	(tm) =	ssettm $0x7FFFFFFF  }
0xc3: {  	_ =	shalt  }
tec
execute0_lowered:
.L_overlay_start_1:
0x0: {  	(tag) =	ssettag $0x1  }
0x1: {  	s0 =	rddreg [dreg:$0x0];
	s9 =	stileid.u32  }
0x2: {  	s1 =	srdreg.scid;
	s6 =	smul.u32 $0x3200, s9  }
0x3: {  	s3 =	simm.s32 $0x0;
	s29 =	simm.s32 $0xB900;
	s15 =	smul.u32 $0xC8000, s9  }
0x4: {  	s30 =	simm.s32 $0x1;
	s1 =	sand.u32 $0x1, s1;
	s20 =	smul.u32 $0x19000, s9  }
0x5: {  	s31 =	simm.s32 $0xD900;
	s28 =	simm.s32 $0x5;
	s8 =	smul.u32 $0x1900, s1  }
0x6: {  	s2 =	sshll.u32 s9, $0x1;
	[smem:$0x7FF] =	sst s3;
	s17 =	smul.u32 $0x64000, s1  }
0x7: {  	s2 =	sor.u32 s1, s2;
	s5 =	ssub.s32 $0x2, s1;
	s1 =	smul.u32 $0xC800, s1  }
0x8: {  	s4 =	sadd.s32 $0x6C00, s0;
	s2 =	smul.u32 $0x1900, s2;
	s7 =	sshrl.u32 s5, $0x1  }
0x9: {  	s9 =	simm.s32 $0x0;
	_ =	strace $0x80000047;
	s13 =	ssub.s32 s5, s7  }
0xa: {  	s14 =	sadd.s32 s8, s6;
	s12 =	sadd.s32 s1, s20;
	s2 =	sshrl.u32 s2, $0x3  }
0xb: {  	s16 =	sshll.u32 s14, $0x3;
	s2 =	sadd.s32 s2, s0;
	s0 =	smax.u32 s13, $0x1  }
0xc: {  	s1 =	simm.s32 $0x2;
	s18 =	sadd.s32 $0x1400, s16;
	[dreg:$0x4] =	wrdreg s0  }
0xd: {  	s5 =	simm.s32 $0x6;
	s19 =	sadd.s32 $0x1000, s16;
	[dreg:$0x5] =	wrdreg s18  }
0xe: {  	s6 =	simm.s32 $0x7;
	s21 =	sadd.s32 $0xC00, s16;
	[dreg:$0x6] =	wrdreg s19  }
0xf: {  	s20 =	simm.s32 $0xA;
	s22 =	sadd.s32 $0x800, s16;
	[dreg:$0x7] =	wrdreg s21  }
0x10: {  	s2 =	sadd.s32 $0x800, s2;
	[dreg:$0x8] =	wrdreg s22;
	s0 =	sor.u32 $0x400, s16  }
0x11: {  	s18 =	simm.s32 $0x80;
	s21 =	simm.s32 $0x11900;
	s19 =	simm.s32 $0x9  }
0x12: {  	s22 =	simm.s32 $0x10;
	[dreg:$0x3] =	wrdreg s2;
	s2 =	sadd.s32 s17, s15  }
.Ltmp0:
0x13: {  	[dreg:$0x9] =	wrdreg s0;
	s0 =	simm.s32 $0xF900;
	(pc) =	sbr.rel .LBB2_1-.Ltmp0, $4  }
0x14: {  	s17 =	simm.s32 $0x8;
	s23 =	sadd.s32 $0x12000, s2;
	s24 =	sadd.s32 $0x10000, s2  }
0x15: {  	s25 =	sadd.s32 $0xE000, s2;
	s26 =	sadd.s32 $0xC000, s2;
	s2 =	simm.s32 $0x3  }
0x16: {  	s13 =	sshrl.u32 s23, $0x3;
	s14 =	sshrl.u32 s24, $0x3;
	s15 =	sshrl.u32 s25, $0x3  }
0x17: {  	s16 =	sshrl.u32 s26, $0x3;
	s23 =	simm.s32 $0x4;
	s25 =	simm.s32 $0x13900  }
.LBB2_4:
0x18: {  	s7 =	simm.s32 $0xB  }
0x19: {  	_ =	swait.ge [sflag:s7], $0x2000  }
0x1a: {  	[sflag:s7] =	ssyncset.done $0x0  }
0x1b: {  	s24 =	simm.s32 $0xC;
	[sflag:s7] =	ssyncadd.s32 $0xFFFFE000  }
0x1c: {  	_ =	swait.ge [sflag:s24], $0x2000  }
0x1d: {  	[sflag:s24] =	ssyncset.done $0x0  }
0x1e: {  	s26 =	simm.s32 $0xD;
	[sflag:s24] =	ssyncadd.s32 $0xFFFFE000  }
0x1f: {  	_ =	swait.ge [sflag:s26], $0x2000  }
0x20: {  	[sflag:s26] =	ssyncset.done $0x0  }
0x21: {  	s8 =	simm.s32 $0xE;
	[sflag:s26] =	ssyncadd.s32 $0xFFFFE000  }
0x22: {  	_ =	swait.ge [sflag:s8], $0x2000  }
0x23: {  	[sflag:s8] =	ssyncset.done $0x0  }
0x24: {  	s9 =	simm.s32 $0xF;
	[sflag:s8] =	ssyncadd.s32 $0xFFFFE000  }
0x25: {  	_ =	swait.ge [sflag:s9], $0x2000  }
0x26: {  	[sflag:s9] =	ssyncset.done $0x0  }
0x27: {  	[sflag:s9] =	ssyncadd.s32 $0xFFFFE000  }
0x28: {  	_ =	swait.ge [sflag:s22], $0x2000  }
0x29: {  	[sflag:s22] =	ssyncset.done $0x0  }
0x2a: {  	s10 =	simm.s32 $0x11;
	[sflag:s22] =	ssyncadd.s32 $0xFFFFE000  }
0x2b: {  	_ =	swait.ge [sflag:s10], $0x2000  }
0x2c: {  	[sflag:s10] =	ssyncset.done $0x0  }
0x2d: {  	s11 =	simm.s32 $0x12;
	[sflag:s10] =	ssyncadd.s32 $0xFFFFE000  }
0x2e: {  	_ =	swait.ge [sflag:s11], $0x2000  }
0x2f: {  	[sflag:s11] =	ssyncset.done $0x0  }
0x30: {  	s24 =	simm.s32 $0x13;
	[sflag:s11] =	ssyncadd.s32 $0xFFFFE000  }
0x31: {  	_ =	swait.ge [sflag:s24], $0x2000  }
0x32: {  	[sflag:s24] =	ssyncset.done $0x0  }
0x33: {  	s8 =	simm.s32 $0x14;
	[sflag:s24] =	ssyncadd.s32 $0xFFFFE000  }
0x34: {  	_ =	swait.ge [sflag:s8], $0x2000  }
0x35: {  	s9 =	rddreg [dreg:$0xa]  }
0x36: {  	s26 =	rddreg [dreg:$0x4];
	s9 =	sadd.s32 $0x1, s9  }
0x37: {  	p0 =	sne.s32 s9, s26  }
.Ltmp1:
0x38: {  	_ = 	snop;
	(pc) =	sbr.rel @!p0 .LBB2_5-.Ltmp1, $3  }
0x39: {  	_ =	sdelay $0x1  }
0x3a: {  	[sflag:s8] =	ssyncset.done $0x0  }
0x3b: {  	[sflag:s8] =	ssyncadd.s32 $0xFFFFE000  }
.LBB2_1:
0x3c: {  	[dreg:$0xa] =	wrdreg s9  }
0x3d: {  	s7 =	rddreg [dreg:$0x3];
	s10 =	simm.s32 $0x15  }
0x3e: {  	[tilespmem:s3], [sflag:$0x15] =	stream.linear.gather [hbm4b:s7+s3], $0x1900, $0x38;
	[tilespmem:$0x15900] =	vst v63  }
0x3f: {  	_ =	swait.ge [sflag:s10], $0x1900  }
0x40: {  	[sflag:s10] =	ssyncset.done $0x0  }
0x41: {  	s11 =	simm.s32 $0x1900;
	[sflag:s10] =	ssyncadd.s32 $0xFFFFE700  }
0x42: {  	[tilespmem:s11], [sflag:$0x1] =	stream.indirect.gather [hbm4b:s4+s18], $0x40, s3, s18, $0xb8;
	[tilespmem:$0x15900] =	vst v63  }
0x43: {  	s24 =	simm.s32 $0x3900  }
0x44: {  	[tilespmem:s24], [sflag:$0x2] =	stream.indirect.gather [hbm4b:s4+s18], $0x40, s18, s18, $0xb8;
	[tilespmem:$0x15900] =	vst v63  }
0x45: {  	s26 =	simm.s32 $0x100;
	s8 =	simm.s32 $0x5900  }
0x46: {  	[tilespmem:s8], [sflag:$0x3] =	stream.indirect.gather [hbm4b:s4+s18], $0x40, s26, s18, $0xb8;
	[tilespmem:$0x15900] =	vst v63  }
0x47: {  	s9 =	simm.s32 $0x180;
	s10 =	simm.s32 $0x7900  }
0x48: {  	[tilespmem:s10], [sflag:$0x4] =	stream.indirect.gather [hbm4b:s4+s18], $0x40, s9, s18, $0xb8;
	[tilespmem:$0x15900] =	vst v63  }
0x49: {  	s11 =	simm.s32 $0x200;
	s24 =	simm.s32 $0x9900  }
0x4a: {  	[tilespmem:s24], [sflag:$0x5] =	stream.indirect.gather [hbm4b:s4+s18], $0x40, s11, s18, $0xb8;
	[tilespmem:$0x15900] =	vst v63  }
0x4b: {  	s26 =	simm.s32 $0x280  }
0x4c: {  	[tilespmem:s29], [sflag:$0x6] =	stream.indirect.gather [hbm4b:s4+s18], $0x40, s26, s18, $0xb8;
	[tilespmem:$0x15900] =	vst v63  }
0x4d: {  	s24 =	rddreg [dreg:$0x1];
	s26 =	simm.s32 $0x0  }
.LBB2_2:
0x4e: {  	_ =	swait.ge [sflag:s30], $0x2000  }
0x4f: {  	s7 =	sadd.s32 s24, s12;
	[sflag:s30] =	ssyncset.done $0x0  }
0x50: {  	s8 =	simm.s32 $0x1900;
	p0 =	seq.s32 s26, $0x0;
	[sflag:s30] =	ssyncadd.s32 $0xFFFFE000  }
0x51: {  	[hbm4b:s7+s3] =	stream.linear.scatter [tilespmem:s8], [sflag:$0xB], $0x2000, $0x38;
	[tilespmem:$0x15900] =	vst v63  }
0x52: {  	s8 =	simm.s32 @!p0 $0x11  }
0x53: {  	_ =	swait.ge @!p0 [sflag:s8], $0x2000  }
0x54: {  	s7 =	sshra.s32 s26, $0x2;
	[sflag:s8] =	ssyncset.done @!p0 $0x0  }
0x55: {  	s9 =	sadd.s32 $0x300, s7;
	[sflag:s8] =	ssyncadd.s32 @!p0 $0xFFFFE000  }
0x56: {  	[tilespmem:s31], [sflag:$0x7] =	stream.indirect.gather [hbm4b:s4+s18], $0x40, s9, s18, $0xb8;
	[tilespmem:$0x15900] =	vst v63  }
0x57: {  	_ =	swait.ge [sflag:s1], $0x2000  }
0x58: {  	[sflag:s1] =	ssyncset.done $0x0;
	s10 =	rddreg [dreg:$0x9]  }
0x59: {  	s9 =	simm.s32 $0x3900;
	[sflag:s1] =	ssyncadd.s32 $0xFFFFE000;
	s8 =	sadd.s32 s24, s10  }
0x5a: {  	[hbm4b:s8+s3] =	stream.linear.scatter [tilespmem:s9], [sflag:$0xC], $0x2000, $0x38;
	[tilespmem:$0x15900] =	vst v63  }
0x5b: {  	s8 =	simm.s32 @!p0 $0x12  }
0x5c: {  	_ =	swait.ge @!p0 [sflag:s8], $0x2000  }
0x5d: {  	[sflag:s8] =	ssyncset.done @!p0 $0x0  }
0x5e: {  	s11 =	sadd.s32 $0x380, s7;
	[sflag:s8] =	ssyncadd.s32 @!p0 $0xFFFFE000  }
0x5f: {  	[tilespmem:s0], [sflag:$0x8] =	stream.indirect.gather [hbm4b:s4+s18], $0x40, s11, s18, $0xb8;
	[tilespmem:$0x15900] =	vst v63  }
0x60: {  	_ =	swait.ge [sflag:s2], $0x2000  }
0x61: {  	[sflag:s2] =	ssyncset.done $0x0;
	s9 =	rddreg [dreg:$0x8]  }
0x62: {  	s10 =	simm.s32 $0x5900;
	[sflag:s2] =	ssyncadd.s32 $0xFFFFE000;
	s8 =	sadd.s32 s24, s9  }
0x63: {  	[hbm4b:s8+s3] =	stream.linear.scatter [tilespmem:s10], [sflag:$0xD], $0x2000, $0x38;
	[tilespmem:$0x15900] =	vst v63  }
0x64: {  	s8 =	simm.s32 @!p0 $0x13  }
0x65: {  	_ =	swait.ge @!p0 [sflag:s8], $0x2000  }
0x66: {  	[sflag:s8] =	ssyncset.done @!p0 $0x0  }
0x67: {  	s11 =	sadd.s32 $0x400, s7;
	[sflag:s8] =	ssyncadd.s32 @!p0 $0xFFFFE000  }
0x68: {  	[tilespmem:s21], [sflag:$0x9] =	stream.indirect.gather [hbm4b:s4+s18], $0x40, s11, s18, $0xb8;
	[tilespmem:$0x15900] =	vst v63  }
0x69: {  	_ =	swait.ge [sflag:s23], $0x2000  }
0x6a: {  	[sflag:s23] =	ssyncset.done $0x0;
	s9 =	rddreg [dreg:$0x7]  }
0x6b: {  	s10 =	simm.s32 $0x7900;
	[sflag:s23] =	ssyncadd.s32 $0xFFFFE000;
	s8 =	sadd.s32 s24, s9  }
0x6c: {  	[hbm4b:s8+s3] =	stream.linear.scatter [tilespmem:s10], [sflag:$0xE], $0x2000, $0x38;
	[tilespmem:$0x15900] =	vst v63  }
0x6d: {  	s8 =	simm.s32 @!p0 $0x14  }
0x6e: {  	_ =	swait.ge @!p0 [sflag:s8], $0x2000  }
0x6f: {  	[sflag:s8] =	ssyncset.done @!p0 $0x0  }
0x70: {  	s11 =	sadd.s32 $0x480, s7;
	[sflag:s8] =	ssyncadd.s32 @!p0 $0xFFFFE000  }
0x71: {  	[tilespmem:s25], [sflag:$0xA] =	stream.indirect.gather [hbm4b:s4+s18], $0x40, s11, s18, $0xb8;
	[tilespmem:$0x15900] =	vst v63  }
0x72: {  	_ =	swait.ge [sflag:s28], $0x2000  }
0x73: {  	s10 =	simm.s32 $0x9900;
	[sflag:s28] =	ssyncset.done $0x0;
	s9 =	rddreg [dreg:$0x6]  }
0x74: {  	p0 =	seq.s32 s26, $0x5000;
	[sflag:s28] =	ssyncadd.s32 $0xFFFFE000;
	s8 =	sadd.s32 s24, s9  }
0x75: {  	[hbm4b:s8+s3] =	stream.linear.scatter [tilespmem:s10], [sflag:$0xF], $0x2000, $0x38;
	[tilespmem:$0x15900] =	vst v63  }
0x76: {  	s8 =	simm.s32 @!p0 $0xB  }
0x77: {  	_ =	swait.ge @!p0 [sflag:s8], $0x2000  }
0x78: {  	[sflag:s8] =	ssyncset.done @!p0 $0x0  }
0x79: {  	[sflag:s8] =	ssyncadd.s32 @!p0 $0xFFFFE000;
	s8 =	sshra.s32 @!p0 s26, $0x2  }
0x7a: {  	s11 =	simm.s32 @!p0 $0x1900;
	s10 =	simm.s32 @!p0 $0x80;
	s9 =	sadd.s32 @!p0 $0x500, s8  }
0x7b: {  	[tilespmem:s11], [sflag:$0x1] =	stream.indirect.gather @!p0 [hbm4b:s4+s10], $0x40, s9, s10, $0xb8;
	[tilespmem:$0x15900] =	vst v63  }
0x7c: {  	_ =	swait.ge [sflag:s5], $0x2000  }
0x7d: {  	[sflag:s5] =	ssyncset.done $0x0;
	s11 =	rddreg [dreg:$0x5]  }
0x7e: {  	[sflag:s5] =	ssyncadd.s32 $0xFFFFE000;
	s9 =	sadd.s32 s24, s11  }
0x7f: {  	[hbm4b:s9+s3] =	stream.linear.scatter [tilespmem:s29], [sflag:$0x10], $0x2000, $0x38;
	[tilespmem:$0x15900] =	vst v63  }
0x80: {  	s9 =	simm.s32 @!p0 $0xC  }
0x81: {  	_ =	swait.ge @!p0 [sflag:s9], $0x2000  }
0x82: {  	[sflag:s9] =	ssyncset.done @!p0 $0x0  }
0x83: {  	s11 =	simm.s32 @!p0 $0x3900;
	[sflag:s9] =	ssyncadd.s32 @!p0 $0xFFFFE000;
	s9 =	sadd.s32 @!p0 $0x580, s8  }
0x84: {  	[tilespmem:s11], [sflag:$0x2] =	stream.indirect.gather @!p0 [hbm4b:s4+s10], $0x40, s9, s10, $0xb8;
	[tilespmem:$0x15900] =	vst v63  }
0x85: {  	_ =	swait.ge [sflag:s6], $0x2000  }
0x86: {  	[sflag:s6] =	ssyncset.done $0x0  }
0x87: {  	s11 =	sadd.s32 s24, s16;
	s9 =	simm.s32 @!p0 $0xD;
	[sflag:s6] =	ssyncadd.s32 $0xFFFFE000  }
0x88: {  	[hbm4b:s11+s3] =	stream.linear.scatter [tilespmem:s31], [sflag:$0x11], $0x2000, $0x38;
	[tilespmem:$0x15900] =	vst v63  }
0x89: {  	_ =	swait.ge @!p0 [sflag:s9], $0x2000  }
0x8a: {  	[sflag:s9] =	ssyncset.done @!p0 $0x0  }
0x8b: {  	s11 =	simm.s32 @!p0 $0x5900;
	[sflag:s9] =	ssyncadd.s32 @!p0 $0xFFFFE000;
	s9 =	sadd.s32 @!p0 $0x600, s8  }
0x8c: {  	[tilespmem:s11], [sflag:$0x3] =	stream.indirect.gather @!p0 [hbm4b:s4+s10], $0x40, s9, s10, $0xb8;
	[tilespmem:$0x15900] =	vst v63  }
0x8d: {  	_ =	swait.ge [sflag:s17], $0x2000  }
0x8e: {  	[sflag:s17] =	ssyncset.done $0x0  }
0x8f: {  	s11 =	sadd.s32 s24, s15;
	s9 =	simm.s32 @!p0 $0xE;
	[sflag:s17] =	ssyncadd.s32 $0xFFFFE000  }
0x90: {  	[hbm4b:s11+s3] =	stream.linear.scatter [tilespmem:s0], [sflag:$0x12], $0x2000, $0x38;
	[tilespmem:$0x15900] =	vst v63  }
0x91: {  	_ =	swait.ge @!p0 [sflag:s9], $0x2000  }
0x92: {  	[sflag:s9] =	ssyncset.done @!p0 $0x0  }
0x93: {  	s11 =	simm.s32 @!p0 $0x7900;
	[sflag:s9] =	ssyncadd.s32 @!p0 $0xFFFFE000;
	s9 =	sadd.s32 @!p0 $0x680, s8  }
0x94: {  	[tilespmem:s11], [sflag:$0x4] =	stream.indirect.gather @!p0 [hbm4b:s4+s10], $0x40, s9, s10, $0xb8;
	[tilespmem:$0x15900] =	vst v63  }
0x95: {  	_ =	swait.ge [sflag:s19], $0x2000  }
0x96: {  	[sflag:s19] =	ssyncset.done $0x0  }
0x97: {  	s11 =	sadd.s32 s24, s14;
	s9 =	simm.s32 @!p0 $0xF;
	[sflag:s19] =	ssyncadd.s32 $0xFFFFE000  }
0x98: {  	[hbm4b:s11+s3] =	stream.linear.scatter [tilespmem:s21], [sflag:$0x13], $0x2000, $0x38;
	[tilespmem:$0x15900] =	vst v63  }
0x99: {  	_ =	swait.ge @!p0 [sflag:s9], $0x2000  }
0x9a: {  	[sflag:s9] =	ssyncset.done @!p0 $0x0  }
0x9b: {  	s8 =	sadd.s32 @!p0 $0x700, s8;
	[sflag:s9] =	ssyncadd.s32 @!p0 $0xFFFFE000;
	s9 =	simm.s32 @!p0 $0x9900  }
0x9c: {  	[tilespmem:s9], [sflag:$0x5] =	stream.indirect.gather @!p0 [hbm4b:s4+s10], $0x40, s8, s10, $0xb8;
	[tilespmem:$0x15900] =	vst v63  }
.Ltmp2:
0x9d: {  	_ = 	snop;
	(pc) =	sbr.rel @p0 .LBB2_4-.Ltmp2, $4  }
0x9e: {  	_ =	swait.ge [sflag:s20], $0x2000  }
0x9f: {  	[sflag:s20] =	ssyncset.done $0x0  }
0xa0: {  	s11 =	sadd.s32 s24, s13;
	[sflag:s20] =	ssyncadd.s32 $0xFFFFE000  }
0xa1: {  	[hbm4b:s11+s3] =	stream.linear.scatter [tilespmem:s25], [sflag:$0x14], $0x2000, $0x38;
	[tilespmem:$0x15900] =	vst v63  }
.Ltmp3:
0xa2: {  	(pc) =	sbr.rel .LBB2_2-.Ltmp3, $4  }
0xa3: {  	_ =	swait.ge [sflag:s22], $0x2000  }
0xa4: {  	s7 =	sadd.s32 $0x780, s7;
	[sflag:s22] =	ssyncset.done $0x0  }
0xa5: {  	s26 =	sadd.s32 $0x1400, s26;
	s24 =	sadd.s32 $0x2800, s24;
	[sflag:s22] =	ssyncadd.s32 $0xFFFFE000  }
0xa6: {  	[tilespmem:s29], [sflag:$0x6] =	stream.indirect.gather [hbm4b:s4+s18], $0x40, s7, s18, $0xb8;
	[tilespmem:$0x15900] =	vst v63  }
.LBB2_5:
0xa7: {  	_ =	sfence.sel $0x180000  }
0xa8: {  	[bflag:$0x0] =	sbarrier.arrive $0xFFFF  }
0xa9: {  	_ =	strace $0x90000047  }
0xaa: {  	s0 =	stileid.u32;
	[bflag:$0x2] =	sbarrier.arrive $0xFFFF  }
0xab: {  	p0 =	sne.s32 s0, $0x0;
	s0 =	rddreg [dreg:$0x2]  }
0xac: {  	s0 =	sadd.s32 @!p0 $0x100000, s0  }
0xad: {  	[sflag:s0] =	ssyncadd.tile.s32 @!p0 $0x1;
	_ =	shalt  }
.Lfunc_end2:
_tile_overlayer_lowered:
.L_overlay_start_2:
0xae: {  	(tag) =	ssettag $0x2  }
0xaf: {  	s0 =	rddreg [dreg:$0x0];
	s2 =	stileid.u32  }
0xb0: {  	s1 =	rddreg [dreg:$0x1];
	p0 =	sne.s32 s2, $0x0  }
0xb1: {  	s3 =	rddreg [dreg:$0x2];
	[bflag:$0x3] =	sbarrier.arrive $0xFFFF;
	s2 =	simm.s32 @!p0 $0x1C15  }
0xb2: {  	[timem:s3], [sflag:s2] =	dma.local @!p0 [hbm:s0], s1  }
0xb3: {  	s0 =	simm.s32 @!p0 $0x15  }
0xb4: {  	_ =	swait.ge @!p0 [sflag:s0], s1  }
0xb5: {  	s1 =	ssub.s32 @!p0 $0x0, s1;
	[sflag:s0] =	ssyncset.done @!p0 $0x0  }
0xb6: {  	[sflag:s0] =	ssyncadd.s32 @!p0 s1  }
0xb7: {  	[bflag:$0x3] =	sbarrier.arrive $0xFFFF  }
0xb8: {  	_ =	shalt  }

// kernel: sparse-core-data-format-call.cloned.1.call-start
scs
called_computation_lowered:
.L_overlay_start_0:
0x0: {  	s2 =	sld [smem:$0x3FD9]  }
0x1: {  	s3 =	sld [smem:$0x3FFE];
	_ =	sdelay $0x1  }
0x2: {  	s1 =	srdreg.scid  }
0x3: {  	s0 =	sand.u32 $0x1, s1  }
0x4: {  	s18 =	sshll.u32 s0, $0xA;
	s2 =	sadd.s32 s3, s2  }
0x5: {  	s2 =	sadd.s32 s2, s18  }
0x6: {  	[smem:$0x3FC6] =	sst s2  }
0x7: {  	_ = 	snop  }
0x8: {  	s2 =	sld [smem:$0x3FD0];
	(tm) =	ssettm $0x1  }
0x9: {  	s19 =	sld [smem:$0x3FFB];
	_ =	sdelay $0x3  }
0xa: {  	_ =	strace s19  }
0xb: {  	s3 =	sld [smem:$0x3FFC];
	_ =	sdelay $0x3  }
0xc: {  	_ =	strace s3  }
0xd: {  	s3 =	sld [smem:$0x3FFD];
	_ =	sdelay $0x3  }
0xe: {  	_ =	strace s3  }
0xf: {  	_ =	strace $0x8FFFFFFF  }
0x10: {  	s20 =	sld [smem:$0x3FDB];
	_ =	sdelay $0x1  }
0x11: {  	s4 =	simm.s32 $_scs_section_size  }
0x12: {  	s5 =	simm.s32 $_size__tile_overlayer_lowered;
	s6 =	simm.s32 $_tile_overlayer_lowered  }
0x13: {  	s23 =	simm.s32 $0x1BFF;
	s22 =	sshll.u32 s6, $0x1;
	s3 =	sadd.s32 s4, s20  }
0x14: {  	s7 =	simm.s32 $0x0;
	s21 =	sshll.u32 s5, $0x1;
	s5 =	sadd.s32 s22, s3  }
0x15: {  	[timem:s7], [sflag:s23] =	dma.local [hbm:s5], s21  }
0x16: {  	_ =	swait.ge [sflag:s23], s21  }
0x17: {  	s4 =	ssub.s32 $0x0, s21;
	[sflag:s23] =	ssyncset.done $0x0  }
0x18: {  	[sflag:s23] =	ssyncadd.s32 s4;
	_ =	sdelay $0x1  }
0x19: {  	s24 =	simm.s32 $0x1B8B  }
0x1a: {  	_ =	swait.ge [sflag:s24], $0x1  }
0x1b: {  	[sflag:s24] =	ssyncset.done $0x0  }
0x1c: {  	s26 =	simm.s32 $0x1B8E;
	s25 =	sld [smem:$0x3FFE];
	[sflag:s24] =	ssyncadd.s32 $0xFFFFFFFF  }
0x1d: {  	s27 =	simm.s32 $execute0_lowered;
	[smem:$0x3FD2] =	sst s26  }
0x1e: {  	s5 =	sshll.u32 s27, $0x1;
	_ =	strace $0x80000049;
	[dreg:$0x1] =	wrdreg $0xFFFFFFFF  }
0x1f: {  	s28 =	simm.s32 $_size_execute0_lowered;
	s3 =	sadd.s32 s3, s5;
	[dreg:$0x0] =	wrdreg $0x0  }
0x20: {  	s5 =	sshll.u32 s28, $0x1;
	[dreg:$0x2] =	wrdreg s3  }
0x21: {  	[dreg:$0x3] =	wrdreg s5  }
0x22: {  	[dreg:$0x4] =	wrdreg $0xC0  }
0x23: {  	_ =	task [dreg:s7], $0x5FFFF  }
0x24: {  	[dreg:$0x1] =	wrdreg $0xFFFFFFFF  }
0x25: {  	[dreg:$0x0] =	wrdreg $0x60  }
0x26: {  	[dreg:$0x2] =	wrdreg s25  }
0x27: {  	[dreg:$0x3] =	wrdreg s2  }
0x28: {  	[dreg:$0x4] =	wrdreg $0x9  }
0x29: {  	_ =	task.clear_ibuf [dreg:s7], $0x5FFFF;
	_ =	strace $0x90000049  }
0x2a: {  	s29 =	simm.s32 $0x9;
	_ =	strace $0x8000004B  }
0x2b: {  	_ =	swait.ge [sflag:s29], $0x1  }
0x2c: {  	[sflag:s29] =	ssyncadd.s32 $0xFFFFFFFF  }
0x2d: {  	_ =	strace $0x9000004B  }
0x2e: {  	_ =	sfence  }
0x2f: {  	s30 =	sld [smem:$0x0];
	_ =	sdelay $0x2  }
0x30: {  	s31 =	sshll.u32 s1, $0xD;
	s1 =	sshrl.u32 s1, $0x2  }
0x31: {  	s3 =	sand.u32 $0x4000, s31;
	s1 =	sadd.s32 s1, s30  }
0x32: {  	s0 =	sor.u32 s3, s0;
	s1 =	sshll.u32 s1, $0x11  }
0x33: {  	s0 =	sor.u32 s1, s0  }
0x34: {  	s0 =	sadd.s32 $0x8F2B, s0  }
0x35: {  	[sflag:s0] =	ssyncadd.remote.s32 $0x1  }
0x36: {  	_ =	sfence.sel $0xFFFF  }
0x37: {  	[dreg:$0x0] =	wrdreg $0xFFFFFFFF;
	(pc) =	sbr.abs _section_cstart, $3  }
0x38: {  	[dreg:$0x1] =	wrdreg $0xFFFFFFFF  }
0x39: {  	_ =	task.clear_ibuf [dreg:s7], $0x2FFFF;
	_ =	strace $0x9FFFFFFF  }
0x3a: {  	(tm) =	ssettm $0x7FFFFFFF  }
0x3b: {  	_ =	shalt  }
tec
execute0_lowered:
.L_overlay_start_1:
0x0: {  	(tag) =	ssettag $0x1  }
0x1: {  	s0 =	srdreg.scid  }
0x2: {  	s1 =	sshll.u32 s0, $0x4  }
0x3: {  	s0 =	stileid.u32;
	s1 =	sand.u32 $0x10, s1  }
0x4: {  	s1 =	sor.u32 s0, s1  }
0x5: {  	s6 =	rddreg [dreg:$0x0];
	s4 =	simm.s32 $0x1;
	s2 =	sshll.u32 s1, $0x7  }
0x6: {  	s7 =	simm.s32 $0x2;
	s12 =	simm.s32 $0x0;
	s1 =	ssub.s32 $0x1000, s2  }
0x7: {  	s8 =	simm.s32 $0x8000;
	s13 =	simm.s32 $0x0;
	s3 =	sand.u32 $0xF80, s1  }
0x8: {  	s9 =	simm.s32 $0x0;
	s5 =	sshrl.u32 s1, $0xC;
	p0 =	sne.s32 s3, $0x0  }
.Ltmp0:
0x9: {  	s1 =	rddreg [dreg:$0x2];
	s4 =	simm.s32 @!p0 $0x0;
	(pc) =	sbr.rel .LBB1_1-.Ltmp0, $4  }
0xa: {  	s11 =	simm.s32 $0x0;
	s3 =	rddreg [dreg:$0x1];
	s5 =	sadd.s32 s4, s5  }
0xb: {  	_ =	strace $0x8000004A;
	s4 =	simm.s32 $0x1;
	s5 =	smul.u32 $0x32, s5  }
0xc: {  	s6 =	sadd.s32 $0x800, s6;
	s10 =	smov.u32 s2;
	[sflag:s4] =	ssyncpa.u1 $0x0  }
0xd: {  	p0 =	por $0x0, $0x0;
	[sflag:s7] =	ssyncpa.u1 $0x0;
	s7 =	sor.u32 $0x1, s5  }
.LBB1_4:
0xe: {  	s16 =	sshll.u32 s13, $0x3;
	s17 =	sand.u32 $0x78, s13  }
0xf: {  	s30 =	sand.u32 $0x7E00, s13;
	s12 =	sshll.u32 s12, $0xF;
	s16 =	sand.u32 $0xC00, s16  }
0x10: {  	[tilespmem:s15+$0x810 ss:$0x81] =	vst.msk $0xffff, v2;
	s31 =	sand.u32 $0x7, s13;
	s16 =	sor.u32 s17, s16;
	s17 =	sadd.s32 s3, s30  }
0x11: {  	[tilespmem:s15+$0x1020 ss:$0x81] =	vst.msk $0xffff, v0;
	s13 =	sshll.u32 s31, $0x12;
	s12 =	sadd.s32 s12, s17;
	s16 =	sshrl.u32 s16, $0x3  }
0x12: {  	[tilespmem:s15+$0x0 ss:$0x81] =	vst.msk $0xffff, v1;
	s13 =	sor.u32 $0x400, s13;
	s12 =	sadd.s32 s16, s12  }
0x13: {  	[hbm4b:s12+s13] =	stream.strided.scatter [tilespmem:s14], [sflag:$0x2], $0x2000, s8, s13, $0x20;
	[tilespmem:$0x8080] =	vst v63  }
.LBB1_5:
0x14: {  	s14 =	sadd.s32 $0x1, s9  }
0x15: {  	s12 =	sadd.s32 $0x1000, s10;
	s16 =	smov.u32 s10;
	p2 =	sgt.s32 s14, $0x31  }
0x16: {  	s16 =	smov.u32 @p2 s12  }
0x17: {  	s14 =	simm.s32 @p2 $0x0;
	p2 =	sgt.s32 s16, $0xFFF  }
0x18: {  	s16 =	smov.u32 @p2 s2;
	p2 =	sne.s32 s11, s7  }
.Ltmp1:
0x19: {  	p1 =	slt.u32 s11, $0x2;
	(pc) =	sbr.rel @!p2 .LBB1_6-.Ltmp1, $4  }
0x1a: {  	s15 =	simm.s32 @!p1 $0x2  }
0x1b: {  	s13 =	smov.u32 s10;
	p0 =	por !p0, !p0;
	_ =	swait.ge @!p1 [sflag:s15], $0x2000  }
0x1c: {  	s12 =	smov.u32 s9;
	[sflag:s15] =	ssyncset.done @!p1 $0x0;
	s9 =	smov.u32 s14  }
0x1d: {  	s11 =	sadd.s32 $0x1, s11;
	[sflag:s15] =	ssyncadd.s32 @!p1 $0xFFFFE000;
	s10 =	smov.u32 s16  }
.LBB1_1:
0x1e: {  	p1 =	sge.u32 s11, s5  }
0x1f: {  	s14 =	sand.u32 @!p1 $0x1FFFFFF, s9  }
0x20: {  	s15 =	smulhi.u32 @!p1 $0x4924925, s14;
	_ =	sdelay $0x1  }
0x21: {  	s15 =	smul.u32 @!p1 $0x38, s15  }
0x22: {  	s16 =	sxor.u32 @!p1 $0xFFFFFFFF, s11;
	s17 =	smul.u32 @!p1 $0x380, s10  }
0x23: {  	s31 =	sadd.s32 $0xFFFFFFFF, s11;
	s16 =	sshll.u32 @!p1 s16, $0xD;
	s14 =	ssub.s32 @!p1 s14, s15  }
0x24: {  	s15 =	sand.u32 @!p1 $0x2000, s16;
	s16 =	sadd.s32 @!p1 s6, s17;
	s14 =	sshll.u32 @!p1 s14, $0x4  }
0x25: {  	s17 =	simm.s32 @!p1 $0x1C00;
	s14 =	sadd.s32 @!p1 s14, s16;
	s16 =	simm.s32 @!p1 $0x40  }
0x26: {  	[tilespmem:s15], [sflag:$0x1] =	stream.strided.gather @!p1 [hbm4b:s14+s16], $0x2000, s17, s16, $0x38;
	[tilespmem:$0x8080] =	vst v63  }
0x27: {  	p1 =	sge.u32 s31, s5  }
.Ltmp2:
0x28: {  	_ = 	snop;
	(pc) =	sbr.rel @p1 .LBB1_5-.Ltmp2, $1  }
0x29: {  	_ =	sdelay $0x3  }
0x2a: {  	s14 =	simm.s32 $0x1  }
0x2b: {  	_ =	swait.ge [sflag:s4], $0x2000;
	s14 =	simm.s32 @!p0 $0x0  }
0x2c: {  	[sflag:s4] =	ssyncset.done $0x0;
	s15 =	sshll.u32 s14, $0xD  }
0x2d: {  	[sflag:s4] =	ssyncadd.s32 $0xFFFFE000;
	s18 =	sor.u32 $0x20, s15  }
0x2e: {  	s14 =	smul.u32 $0x8100, s14;
	v3 =	vld [tilespmem:s18+$0x10]  }
0x2f: {  	s30 =	sand.u32 $0x1, s11;
	v2 =	vld [tilespmem:s18+$0xFFFFFFF0]  }
0x30: {  	s15 =	smul.u32 $0x8100, s30;
	s14 =	sshrl.u32 s14, $0x2;
	v0 =	vld [tilespmem:s18+$0x0]  }
0x31: {  	v1 =	vld [tilespmem:s18+$0xFFFFFFE0];
	s16 =	sor.u32 $0x4000, s14  }
0x32: {  	s31 =	sshrl.u32 s15, $0x2;
	s15 =	sadd.s32 $0x0, s16  }
0x33: {  	s17 =	simm.s32 $0x4;
	s18 =	sadd.s32 $0x40, s18;
	s14 =	sor.u32 $0x4000, s31;
	[tilespmem:s15+$0x1830 ss:$0x81] =	vst.msk $0xffff, v3  }
.LBB1_3:
0x34: {  	v3 =	vld [tilespmem:s18+$0x10];
	p1 =	sne.s32 s17, $0x1FC;
	[tilespmem:s15+$0x810 ss:$0x81] =	vst.msk $0xffff, v2;
	s19 =	smov.u32 s17;
	s17 =	sadd.s32 $0x4, s17  }
.Ltmp3:
0x35: {  	v2 =	vld [tilespmem:s18+$0xFFFFFFF0];
	[tilespmem:s15+$0x1020 ss:$0x81] =	vst.msk $0xffff, v0;
	(pc) =	sbr.rel @p1 .LBB1_3-.Ltmp3, $4  }
0x36: {  	v0 =	vld [tilespmem:s18+$0x0];
	[tilespmem:s15+$0x0 ss:$0x81] =	vst.msk $0xffff, v1  }
0x37: {  	s15 =	sshra.s32 s19, $0x2;
	v1 =	vld [tilespmem:s18+$0xFFFFFFE0]  }
0x38: {  	s15 =	sadd.s32 s15, s16  }
0x39: {  	s18 =	sadd.s32 $0x40, s18;
	[tilespmem:s15+$0x1830 ss:$0x81] =	vst.msk $0xffff, v3  }
.Ltmp4:
0x3a: {  	_ = 	snop;
	(pc) =	sbr.rel .LBB1_4-.Ltmp4, $1  }
0x3b: {  	_ =	sdelay $0x3  }
.LBB1_6:
0x3c: {  	_ =	sfence.sel $0x180000  }
0x3d: {  	s2 =	simm.s32 $0x1;
	[bflag:$0x0] =	sbarrier.arrive $0xFFFF  }
0x3e: {  	s31 =	simm.s32 $0x2;
	[sflag:s2] =	ssyncpa.u1 $0x1  }
0x3f: {  	[sflag:s31] =	ssyncpa.u1 $0x1  }
0x40: {  	p0 =	sne.s32 s0, $0x0;
	_ =	strace $0x9000004A  }
0x41: {  	s0 =	sadd.s32 @!p0 $0x100000, s1;
	[bflag:$0x2] =	sbarrier.arrive $0xFFFF  }
0x42: {  	[sflag:s0] =	ssyncadd.tile.s32 @!p0 $0x1;
	_ =	shalt  }
.Lfunc_end1:
_tile_overlayer_lowered:
.L_overlay_start_2:
0x43: {  	(tag) =	ssettag $0x2  }
0x44: {  	s0 =	rddreg [dreg:$0x0];
	s2 =	stileid.u32  }
0x45: {  	s1 =	rddreg [dreg:$0x1];
	p0 =	sne.s32 s2, $0x0  }
0x46: {  	s3 =	rddreg [dreg:$0x2];
	[bflag:$0x3] =	sbarrier.arrive $0xFFFF;
	s2 =	simm.s32 @!p0 $0x1C01  }
0x47: {  	[timem:s3], [sflag:s2] =	dma.local @!p0 [hbm:s0], s1  }
0x48: {  	s0 =	simm.s32 @!p0 $0x1  }
0x49: {  	_ =	swait.ge @!p0 [sflag:s0], s1  }
0x4a: {  	s1 =	ssub.s32 @!p0 $0x0, s1;
	[sflag:s0] =	ssyncset.done @!p0 $0x0  }
0x4b: {  	[sflag:s0] =	ssyncadd.s32 @!p0 s1  }
0x4c: {  	[bflag:$0x3] =	sbarrier.arrive $0xFFFF  }
0x4d: {  	_ =	shalt  }

</sc_bundles>
